<compile_context>
chip_gen: v7x
topology: tpu7x:2x2x1
jax: 0.10.2.dev20260603
libtpu: 0.0.44.dev20260713+nightly
codegen_flags: <defaults>
</compile_context>

<pallas_src>
import jax
import jax.numpy as jnp
import numpy as np
from jax import lax
from jax.experimental import pallas as pl
from jax.experimental.pallas import tpu as pltpu
from jax.experimental.pallas import tpu_sc as plsc

N = 4096
K = 32
NW = 32
RW = N // NW
BIG = np.float32(3.0e38)
CUT2 = np.float32(100.0)


def _nsqrt(x):
    b = lax.bitcast_convert_type(x, jnp.int32)
    r = lax.bitcast_convert_type(np.int32(0x5F3759DF) - (b >> 1), jnp.float32)
    hx = 0.5 * x
    r = r * (1.5 - hx * r * r)
    r = r * (1.5 - hx * r * r)
    r = r * (1.5 - hx * r * r)
    return x * r


def _sc_body(x_hbm, y_hbm, z_hbm, ss_hbm, se_hbm, src_hbm, w_hbm,
             xv, yv, zv, ssv, sev, d2b, osrc, ow):
    wid = lax.axis_index("c") * 16 + lax.axis_index("s")
    r0 = wid * RW
    lanes = lax.iota(jnp.int32, 16)

    pltpu.sync_copy(x_hbm, xv)
    pltpu.sync_copy(y_hbm, yv)
    pltpu.sync_copy(z_hbm, zv)
    pltpu.sync_copy(ss_hbm, ssv)
    pltpu.sync_copy(se_hbm, sev)

    def init(t, _):
        osrc[pl.ds(t * 16, 16)] = r0 + ((t * 16 + lanes) >> 5)
        ow[pl.ds(t * 16, 16)] = jnp.zeros((16,), jnp.float32)
        return 0
    lax.fori_loop(0, RW * K // 16, init, 0)

    def group(g, _):
        row = r0 + g * 16
        xr = xv[pl.ds(row, 16)]
        yr = yv[pl.ds(row, 16)]
        zr = zv[pl.ds(row, 16)]
        sv = ssv[pl.ds(row, 16)]
        ev = sev[pl.ds(row, 16)]
        rowid = row + lanes
        w0 = sv[0]
        wn = ev[15] - w0

        def p1(j, _):
            c = w0 + j
            cidx = jnp.full((16,), c, jnp.int32)
            xc = plsc.load_gather(xv, [cidx])
            yc = plsc.load_gather(yv, [cidx])
            zc = plsc.load_gather(zv, [cidx])
            dx = xr - xc
            dy = yr - yc
            dz = zr - zc
            d2 = (dx * dx + dy * dy) + dz * dz
            valid = (c >= sv) & (c < ev) & (rowid != c) & (d2 <= CUT2)
            d2b[j] = jnp.where(valid, d2, BIG)
            return 0
        lax.fori_loop(0, wn, p1, 0)

        wn4 = (wn + 3) & ~3

        def pad(j, _):
            d2b[j] = jnp.full((16,), BIG, jnp.float32)
            return 0
        lax.fori_loop(wn, wn4, pad, 0)

        lanebase = (g * 16 + lanes) * K
        zero = jnp.zeros((16,), jnp.int32)

        def p2(jb, _):
            j0 = jb * 4
            d = [d2b[j0], d2b[j0 + 1], d2b[j0 + 2], d2b[j0 + 3]]

            def cnt_le(i, acc):
                jp = i * 4
                v = [d2b[jp], d2b[jp + 1], d2b[jp + 2], d2b[jp + 3]]
                return tuple(
                    acc[t]
                    + (v[0] <= d[t]).astype(jnp.int32)
                    + (v[1] <= d[t]).astype(jnp.int32)
                    + (v[2] <= d[t]).astype(jnp.int32)
                    + (v[3] <= d[t]).astype(jnp.int32)
                    for t in range(4))

            def cnt_lt(i, acc):
                jp = i * 4
                v = [d2b[jp], d2b[jp + 1], d2b[jp + 2], d2b[jp + 3]]
                return tuple(
                    acc[t]
                    + (v[0] < d[t]).astype(jnp.int32)
                    + (v[1] < d[t]).astype(jnp.int32)
                    + (v[2] < d[t]).astype(jnp.int32)
                    + (v[3] < d[t]).astype(jnp.int32)
                    for t in range(4))

            r = lax.fori_loop(0, jb, cnt_le, (zero,) * 4)
            r = lax.fori_loop(jb + 1, wn4 >> 2, cnt_lt, r)
            rk = list(r)
            for t in range(4):
                for u in range(4):
                    if u == t:
                        continue
                    cmp = (d[u] <= d[t]) if u < t else (d[u] < d[t])
                    rk[t] = rk[t] + cmp.astype(jnp.int32)
            for t in range(4):
                ok = (d[t] <= CUT2) & (rk[t] < K)
                fpos = lanebase + rk[t]
                cval = jnp.full((16,), w0 + j0 + t, jnp.int32)
                plsc.store_scatter(osrc, [fpos], cval, mask=ok)
                plsc.store_scatter(ow, [fpos], _nsqrt(d[t]), mask=ok)
            return 0
        lax.fori_loop(0, wn4 >> 2, p2, 0)
        return 0

    lax.fori_loop(0, RW // 16, group, 0)

    pltpu.sync_copy(osrc, src_hbm.at[pl.ds(r0 * K, RW * K)])
    pltpu.sync_copy(ow, w_hbm.at[pl.ds(r0 * K, RW * K)])


@jax.jit
def _radius_graph_sc(pos, batch):
    n = pos.shape[0]
    batch = batch.astype(jnp.int32)
    x = pos[:, 0]
    y = pos[:, 1]
    z = pos[:, 2]

    ii = jnp.arange(n, dtype=jnp.int32)
    is_start = jnp.concatenate([jnp.ones((1,), jnp.bool_),
                                batch[1:] != batch[:-1]])
    is_end = jnp.concatenate([batch[1:] != batch[:-1],
                              jnp.ones((1,), jnp.bool_)])
    seg_start = lax.cummax(jnp.where(is_start, ii, 0))
    seg_end = jnp.flip(lax.cummin(jnp.flip(jnp.where(is_end, ii + 1, n))))

    pad = [(0, 16)]
    x = jnp.pad(x, pad)
    y = jnp.pad(y, pad)
    z = jnp.pad(z, pad)
    seg_start = jnp.pad(seg_start, pad)
    seg_end = jnp.pad(seg_end, pad)

    mesh = plsc.VectorSubcoreMesh(core_axis_name="c", subcore_axis_name="s",
                                  num_cores=2, num_subcores=16)
    src_flat, w_flat = pl.kernel(
        _sc_body,
        out_type=[
            jax.ShapeDtypeStruct((n * K,), jnp.int32),
            jax.ShapeDtypeStruct((n * K,), jnp.float32),
        ],
        mesh=mesh,
        compiler_params=pltpu.CompilerParams(needs_layout_passes=False,
                                             use_tc_tiling_on_sc=False),
        scratch_types=[
            pltpu.VMEM((n + 16,), jnp.float32),
            pltpu.VMEM((n + 16,), jnp.float32),
            pltpu.VMEM((n + 16,), jnp.float32),
            pltpu.VMEM((n + 16,), jnp.int32),
            pltpu.VMEM((n + 16,), jnp.int32),
            pltpu.VMEM((n, 16), jnp.float32),
            pltpu.VMEM((RW * K,), jnp.int32),
            pltpu.VMEM((RW * K,), jnp.float32),
        ],
    )(x, y, z, seg_start, seg_end)

    centers = jnp.broadcast_to(jnp.arange(n, dtype=jnp.int32)[:, None],
                               (n, K))
    edge_index = jnp.stack([src_flat, centers.reshape(-1)], axis=0)
    edge_weight = w_flat
    return edge_index, edge_weight


def kernel(pos, batch):
    return _radius_graph_sc(pos, batch)

# --- scband reference (transcript-rebuilt; emitter-appended) ---
"""Pipeline reference for scband-radius-interaction-graph-63273458204901 (READ-ONLY COPY).

The authoritative reference and input builder live on the scoring server;
editing this copy changes nothing except your own understanding.
"""

import jax, jax.numpy as jnp
import numpy as np

CUTOFF = 10.0
MAX_NUM_NEIGHBORS = 32
N = 4096
NUM_BATCHES = 128

def setup_inputs(seed: int = 0) -> dict:
    key = jax.random.key(seed)
    k1, k2 = jax.random.split(key)
    pos = jax.random.normal(k1, (N, 3), dtype=jnp.float32) * 3.0
    batch = jnp.sort(jax.random.randint(k2, (N,), 0, NUM_BATCHES)).astype(jnp.int64)
    return {"pos": pos, "batch": batch}

def reference(pos, batch):
    n = pos.shape[0]
    K = MAX_NUM_NEIGHBORS
    # Dense pairwise distances (compute-heavy O(N^2 * 3))
    diff = pos[:, None, :] - pos[None, :, :]
    dist = jnp.sqrt(jnp.sum(diff * diff, axis=-1))
    same_batch = batch[:, None] == batch[None, :]
    not_self = ~jnp.eye(n, dtype=bool)
    valid = same_batch & not_self & (dist <= CUTOFF)
    masked = jnp.where(valid, dist, jnp.inf)
    # Keep at most max_num_neighbors nearest neighbors per center node
    neg_vals, nbr_idx = jax.lax.top_k(-masked, K)
    vals = -neg_vals  # [n, K]
    is_valid = jnp.isfinite(vals)  # [n, K]
    centers = jnp.broadcast_to(jnp.arange(n)[:, None], (n, K))
    src = jnp.where(is_valid, nbr_idx, centers)
    row = src.reshape(-1)        # source (neighbor) nodes
    col = centers.reshape(-1)    # target (center) nodes
    edge_index = jnp.stack([row, col], axis=0)  # [2, n*K] padded fixed-size edge list
    valid_flat = is_valid.reshape(-1)
    d = pos[row] - pos[col]
    sq = jnp.sum(d * d, axis=-1)
    safe_sq = jnp.where(valid_flat, sq, 1.0)
    edge_weight = jnp.where(valid_flat, jnp.sqrt(safe_sq), 0.0)
    return edge_index, edge_weight

if __name__ == "__main__":
    import jax
    _d = setup_inputs()
    print(jax.jit(kernel)(*tuple(_d.values())))

</pallas_src>

<mosaic_0001>
#map = affine_map<(d0, d1) -> (0)>
module attributes {stable_mosaic.version = 14 : i64} {
  func.func @_sc_body(%arg0: i32, %arg1: i32, %arg2: memref<4112xf32, #tpu.memory_space<hbm>>, %arg3: memref<4112xf32, #tpu.memory_space<hbm>>, %arg4: memref<4112xf32, #tpu.memory_space<hbm>>, %arg5: memref<4112xi32, #tpu.memory_space<hbm>>, %arg6: memref<4112xi32, #tpu.memory_space<hbm>>, %arg7: memref<131072xi32, #tpu.memory_space<hbm>>, %arg8: memref<131072xf32, #tpu.memory_space<hbm>>, %arg9: memref<4112xf32, #tpu.memory_space<vmem>>, %arg10: memref<4112xf32, #tpu.memory_space<vmem>>, %arg11: memref<4112xf32, #tpu.memory_space<vmem>>, %arg12: memref<4112xi32, #tpu.memory_space<vmem>>, %arg13: memref<4112xi32, #tpu.memory_space<vmem>>, %arg14: memref<4096x16xf32, #tpu.memory_space<vmem>>, %arg15: memref<4096xi32, #tpu.memory_space<vmem>>, %arg16: memref<4096xf32, #tpu.memory_space<vmem>>) attributes {dimension_semantics = [#tpu.dimension_semantics<core_parallel>, #tpu.dimension_semantics<subcore_parallel>], iteration_bounds = array<i64: 2, 16>, scalar_prefetch = 0 : i64, scratch_operands = 8 : i64, tpu.core_type = #tpu.core_type<sc_vector_subcore>, window_params = [{transform_indices = #map}, {transform_indices = #map}, {transform_indices = #map}, {transform_indices = #map}, {transform_indices = #map}, {transform_indices = #map}, {transform_indices = #map}]} {
    %mul3A = arith.constant 16 : i32
    %mul3A_0 = arith.muli %arg0, %mul3A : i32
    %add3A = arith.addi %mul3A_0, %arg1 : i32
    %mul3A_1 = arith.constant 128 : i32
    %mul3A_2 = arith.muli %add3A, %mul3A_1 : i32
    %iota3A = tpu.iota {dimensions = array<i32: 0>} : vector<16xi32>
    "tpu.region"() ({
      %run_scoped3A = tpu.sem_alloc : memref<!tpu.dma_semaphore, #tpu.memory_space<semaphore_mem>>
      tpu.enqueue_dma source(%arg2 : memref<4112xf32, #tpu.memory_space<hbm>>) target(%arg9 : memref<4112xf32, #tpu.memory_space<vmem>>) target_semaphore(%run_scoped3A : memref<!tpu.dma_semaphore, #tpu.memory_space<semaphore_mem>>)
      tpu.wait_dma2 semaphore(%run_scoped3A : memref<!tpu.dma_semaphore, #tpu.memory_space<semaphore_mem>>) src(%arg2 : memref<4112xf32, #tpu.memory_space<hbm>>) dst(%arg9 : memref<4112xf32, #tpu.memory_space<vmem>>)
      tpu.yield
    }) : () -> ()
    "tpu.region"() ({
      %run_scoped3A = tpu.sem_alloc : memref<!tpu.dma_semaphore, #tpu.memory_space<semaphore_mem>>
      tpu.enqueue_dma source(%arg3 : memref<4112xf32, #tpu.memory_space<hbm>>) target(%arg10 : memref<4112xf32, #tpu.memory_space<vmem>>) target_semaphore(%run_scoped3A : memref<!tpu.dma_semaphore, #tpu.memory_space<semaphore_mem>>)
      tpu.wait_dma2 semaphore(%run_scoped3A : memref<!tpu.dma_semaphore, #tpu.memory_space<semaphore_mem>>) src(%arg3 : memref<4112xf32, #tpu.memory_space<hbm>>) dst(%arg10 : memref<4112xf32, #tpu.memory_space<vmem>>)
      tpu.yield
    }) : () -> ()
    "tpu.region"() ({
      %run_scoped3A = tpu.sem_alloc : memref<!tpu.dma_semaphore, #tpu.memory_space<semaphore_mem>>
      tpu.enqueue_dma source(%arg4 : memref<4112xf32, #tpu.memory_space<hbm>>) target(%arg11 : memref<4112xf32, #tpu.memory_space<vmem>>) target_semaphore(%run_scoped3A : memref<!tpu.dma_semaphore, #tpu.memory_space<semaphore_mem>>)
      tpu.wait_dma2 semaphore(%run_scoped3A : memref<!tpu.dma_semaphore, #tpu.memory_space<semaphore_mem>>) src(%arg4 : memref<4112xf32, #tpu.memory_space<hbm>>) dst(%arg11 : memref<4112xf32, #tpu.memory_space<vmem>>)
      tpu.yield
    }) : () -> ()
    "tpu.region"() ({
      %run_scoped3A = tpu.sem_alloc : memref<!tpu.dma_semaphore, #tpu.memory_space<semaphore_mem>>
      tpu.enqueue_dma source(%arg5 : memref<4112xi32, #tpu.memory_space<hbm>>) target(%arg12 : memref<4112xi32, #tpu.memory_space<vmem>>) target_semaphore(%run_scoped3A : memref<!tpu.dma_semaphore, #tpu.memory_space<semaphore_mem>>)
      tpu.wait_dma2 semaphore(%run_scoped3A : memref<!tpu.dma_semaphore, #tpu.memory_space<semaphore_mem>>) src(%arg5 : memref<4112xi32, #tpu.memory_space<hbm>>) dst(%arg12 : memref<4112xi32, #tpu.memory_space<vmem>>)
      tpu.yield
    }) : () -> ()
    "tpu.region"() ({
      %run_scoped3A = tpu.sem_alloc : memref<!tpu.dma_semaphore, #tpu.memory_space<semaphore_mem>>
      tpu.enqueue_dma source(%arg6 : memref<4112xi32, #tpu.memory_space<hbm>>) target(%arg13 : memref<4112xi32, #tpu.memory_space<vmem>>) target_semaphore(%run_scoped3A : memref<!tpu.dma_semaphore, #tpu.memory_space<semaphore_mem>>)
      tpu.wait_dma2 semaphore(%run_scoped3A : memref<!tpu.dma_semaphore, #tpu.memory_space<semaphore_mem>>) src(%arg6 : memref<4112xi32, #tpu.memory_space<hbm>>) dst(%arg13 : memref<4112xi32, #tpu.memory_space<vmem>>)
      tpu.yield
    }) : () -> ()
    %scan3A = arith.constant 0 : i32
    %scan3A_3 = arith.constant 0 : i32
    %scan3A_4 = arith.constant 256 : i32
    %scan3A_5 = arith.addi %scan3A_3, %scan3A_4 : i32
    %scan3A_6 = arith.constant 1 : i32
    %scan3A_7 = scf.for %scan3A_20 = %scan3A_3 to %scan3A_5 step %scan3A_6 iter_args(%scan3A_21 = %scan3A) -> (i32)  : i32 {
      %mul3A_22 = arith.constant 16 : i32
      %mul3A_23 = arith.muli %scan3A_20, %mul3A_22 : i32
      %add3A_24 = vector.broadcast %mul3A_23 : i32 to vector<16xi32>
      %add3A_25 = arith.addi %add3A_24, %iota3A : vector<16xi32>
      %shift_right_arithmetic3A = arith.constant 5 : i32
      %shift_right_arithmetic3A_26 = vector.broadcast %shift_right_arithmetic3A : i32 to vector<16xi32>
      %shift_right_arithmetic3A_27 = arith.shrsi %add3A_25, %shift_right_arithmetic3A_26 : vector<16xi32>
      %add3A_28 = vector.broadcast %mul3A_2 : i32 to vector<16xi32>
      %add3A_29 = arith.addi %add3A_28, %shift_right_arithmetic3A_27 : vector<16xi32>
      %mul3A_30 = arith.constant 16 : i32
      %mul3A_31 = arith.muli %scan3A_20, %mul3A_30 : i32
      %swap3A = arith.index_cast %mul3A_31 : i32 to index
      %swap3A_32 = tpu.vector_load %arg15[%swap3A] {strides = array<i32>} : memref<4096xi32, #tpu.memory_space<vmem>>, vector<16xi32>,
      tpu.vector_store %arg15[%swap3A], %add3A_29 {strides = array<i32>} : memref<4096xi32, #tpu.memory_space<vmem>>, vector<16xi32>,
      %broadcast_in_dim3A = arith.constant 0.000000e+00 : f32
      %broadcast_in_dim3A_33 = vector.broadcast %broadcast_in_dim3A : f32 to vector<16xf32>
      %mul3A_34 = arith.constant 16 : i32
      %mul3A_35 = arith.muli %scan3A_20, %mul3A_34 : i32
      %swap3A_36 = arith.index_cast %mul3A_35 : i32 to index
      %swap3A_37 = tpu.vector_load %arg16[%swap3A_36] {strides = array<i32>} : memref<4096xf32, #tpu.memory_space<vmem>>, vector<16xf32>,
      tpu.vector_store %arg16[%swap3A_36], %broadcast_in_dim3A_33 {strides = array<i32>} : memref<4096xf32, #tpu.memory_space<vmem>>, vector<16xf32>,
      %scan3A_38 = arith.constant 0 : i32
      scf.yield %scan3A_38 : i32
    }
    %scan3A_8 = arith.constant 256 : i32
    %scan3A_9 = arith.constant 0 : i32
    %scan3A_10 = arith.constant 0 : i32
    %scan3A_11 = arith.constant 8 : i32
    %scan3A_12 = arith.addi %scan3A_10, %scan3A_11 : i32
    %scan3A_13 = arith.constant 1 : i32
    %scan3A_14 = scf.for %scan3A_20 = %scan3A_10 to %scan3A_12 step %scan3A_13 iter_args(%scan3A_21 = %scan3A_9) -> (i32)  : i32 {
      %mul3A_22 = arith.constant 16 : i32
      %mul3A_23 = arith.muli %scan3A_20, %mul3A_22 : i32
      %add3A_24 = arith.addi %mul3A_2, %mul3A_23 : i32
      %get3A = arith.index_cast %add3A_24 : i32 to index
      %get3A_25 = tpu.vector_load %arg9[%get3A] {strides = array<i32>} : memref<4112xf32, #tpu.memory_space<vmem>>, vector<16xf32>,
      %get3A_26 = arith.index_cast %add3A_24 : i32 to index
      %get3A_27 = tpu.vector_load %arg10[%get3A_26] {strides = array<i32>} : memref<4112xf32, #tpu.memory_space<vmem>>, vector<16xf32>,
      %get3A_28 = arith.index_cast %add3A_24 : i32 to index
      %get3A_29 = tpu.vector_load %arg11[%get3A_28] {strides = array<i32>} : memref<4112xf32, #tpu.memory_space<vmem>>, vector<16xf32>,
      %get3A_30 = arith.index_cast %add3A_24 : i32 to index
      %get3A_31 = tpu.vector_load %arg12[%get3A_30] {strides = array<i32>} : memref<4112xi32, #tpu.memory_space<vmem>>, vector<16xi32>,
      %get3A_32 = arith.index_cast %add3A_24 : i32 to index
      %get3A_33 = tpu.vector_load %arg13[%get3A_32] {strides = array<i32>} : memref<4112xi32, #tpu.memory_space<vmem>>, vector<16xi32>,
      %add3A_34 = vector.broadcast %add3A_24 : i32 to vector<16xi32>
      %add3A_35 = arith.addi %add3A_34, %iota3A : vector<16xi32>
      %slice3A = vector.extract_strided_slice %get3A_31 {offsets = [0], sizes = [1], strides = [1]} : vector<16xi32> to vector<1xi32>
      %squeeze3A = vector.extract %slice3A[0] : i32 from vector<1xi32>
      %slice3A_36 = vector.extract_strided_slice %get3A_33 {offsets = [15], sizes = [1], strides = [1]} : vector<16xi32> to vector<1xi32>
      %squeeze3A_37 = vector.extract %slice3A_36[0] : i32 from vector<1xi32>
      %sub3A = arith.subi %squeeze3A_37, %squeeze3A : i32
      %while3A = arith.constant 0 : i32
      %while3A_38 = arith.constant 0 : i32
      %while3A_39 = arith.subi %sub3A, %while3A : i32
      %while3A_40 = arith.addi %while3A, %while3A_39 : i32
      %while3A_41 = arith.constant 1 : i32
      %while3A_42 = arith.divsi %while3A_39, %while3A_41 : i32
      %while3A_43 = arith.muli %while3A_42, %while3A_41 : i32
      %while3A_44 = arith.addi %while3A, %while3A_43 : i32
      %while3A_45 = arith.constant 1 : i32
      %while3A_46 = scf.for %while3A_85 = %while3A to %while3A_44 step %while3A_45 iter_args(%while3A_86 = %while3A_38) -> (i32)  : i32 {
        %add3A_87 = arith.addi %squeeze3A, %while3A_85 : i32
        %broadcast_in_dim3A_88 = vector.broadcast %add3A_87 : i32 to vector<16xi32>
        %gather3A = tpu.vector_load_idx %arg9[%broadcast_in_dim3A_88] : memref<4112xf32, #tpu.memory_space<vmem>>[vector<16xi32>], vector<16xf32>,
        %gather3A_89 = tpu.vector_load_idx %arg10[%broadcast_in_dim3A_88] : memref<4112xf32, #tpu.memory_space<vmem>>[vector<16xi32>], vector<16xf32>,
        %gather3A_90 = tpu.vector_load_idx %arg11[%broadcast_in_dim3A_88] : memref<4112xf32, #tpu.memory_space<vmem>>[vector<16xi32>], vector<16xf32>,
        %sub3A_91 = arith.subf %get3A_25, %gather3A : vector<16xf32>
        %sub3A_92 = arith.subf %get3A_27, %gather3A_89 : vector<16xf32>
        %sub3A_93 = arith.subf %get3A_29, %gather3A_90 : vector<16xf32>
        %mul3A_94 = arith.mulf %sub3A_91, %sub3A_91 : vector<16xf32>
        %mul3A_95 = arith.mulf %sub3A_92, %sub3A_92 : vector<16xf32>
        %add3A_96 = arith.addf %mul3A_94, %mul3A_95 : vector<16xf32>
        %mul3A_97 = arith.mulf %sub3A_93, %sub3A_93 : vector<16xf32>
        %add3A_98 = arith.addf %add3A_96, %mul3A_97 : vector<16xf32>
        %ge3A = vector.broadcast %add3A_87 : i32 to vector<16xi32>
        %ge3A_99 = arith.cmpi sge, %ge3A, %get3A_31 : vector<16xi32>
        %lt3A = vector.broadcast %add3A_87 : i32 to vector<16xi32>
        %lt3A_100 = arith.cmpi slt, %lt3A, %get3A_33 : vector<16xi32>
        %and3A_101 = arith.andi %ge3A_99, %lt3A_100 : vector<16xi1>
        %ne3A = vector.broadcast %add3A_87 : i32 to vector<16xi32>
        %ne3A_102 = arith.cmpi ne, %add3A_35, %ne3A : vector<16xi32>
        %and3A_103 = arith.andi %and3A_101, %ne3A_102 : vector<16xi1>
        %le3A = arith.constant 1.000000e+02 : f32
        %le3A_104 = vector.broadcast %le3A : f32 to vector<16xf32>
        %le3A_105 = arith.cmpf ole, %add3A_98, %le3A_104 : vector<16xf32>
        %and3A_106 = arith.andi %and3A_103, %le3A_105 : vector<16xi1>
        %jit3A = arith.constant 3.000000e+38 : f32
        %broadcast_in_dim3A_107 = vector.broadcast %jit3A : f32 to vector<16xf32>
        %select_n3A = arith.select %and3A_106, %add3A_98, %broadcast_in_dim3A_107 : vector<16xi1>, vector<16xf32>
        %swap3A = arith.index_cast %while3A_85 : i32 to index
        %swap3A_108 = arith.constant 0 : index
        %swap3A_109 = tpu.vector_load %arg14[%swap3A, %swap3A_108] {strides = array<i32>} : memref<4096x16xf32, #tpu.memory_space<vmem>>, vector<16xf32>,
        tpu.vector_store %arg14[%swap3A, %swap3A_108], %select_n3A {strides = array<i32>} : memref<4096x16xf32, #tpu.memory_space<vmem>>, vector<16xf32>,
        %while3A_110 = arith.constant 0 : i32
        scf.yield %while3A_110 : i32
      }
      %while3A_47 = arith.constant 1 : i32
      %while3A_48 = scf.for %while3A_85 = %while3A_44 to %while3A_40 step %while3A_47 iter_args(%while3A_86 = %while3A_46) -> (i32)  : i32 {
        %add3A_87 = arith.addi %squeeze3A, %while3A_85 : i32
        %broadcast_in_dim3A_88 = vector.broadcast %add3A_87 : i32 to vector<16xi32>
        %gather3A = tpu.vector_load_idx %arg9[%broadcast_in_dim3A_88] : memref<4112xf32, #tpu.memory_space<vmem>>[vector<16xi32>], vector<16xf32>,
        %gather3A_89 = tpu.vector_load_idx %arg10[%broadcast_in_dim3A_88] : memref<4112xf32, #tpu.memory_space<vmem>>[vector<16xi32>], vector<16xf32>,
        %gather3A_90 = tpu.vector_load_idx %arg11[%broadcast_in_dim3A_88] : memref<4112xf32, #tpu.memory_space<vmem>>[vector<16xi32>], vector<16xf32>,
        %sub3A_91 = arith.subf %get3A_25, %gather3A : vector<16xf32>
        %sub3A_92 = arith.subf %get3A_27, %gather3A_89 : vector<16xf32>
        %sub3A_93 = arith.subf %get3A_29, %gather3A_90 : vector<16xf32>
        %mul3A_94 = arith.mulf %sub3A_91, %sub3A_91 : vector<16xf32>
        %mul3A_95 = arith.mulf %sub3A_92, %sub3A_92 : vector<16xf32>
        %add3A_96 = arith.addf %mul3A_94, %mul3A_95 : vector<16xf32>
        %mul3A_97 = arith.mulf %sub3A_93, %sub3A_93 : vector<16xf32>
        %add3A_98 = arith.addf %add3A_96, %mul3A_97 : vector<16xf32>
        %ge3A = vector.broadcast %add3A_87 : i32 to vector<16xi32>
        %ge3A_99 = arith.cmpi sge, %ge3A, %get3A_31 : vector<16xi32>
        %lt3A = vector.broadcast %add3A_87 : i32 to vector<16xi32>
        %lt3A_100 = arith.cmpi slt, %lt3A, %get3A_33 : vector<16xi32>
        %and3A_101 = arith.andi %ge3A_99, %lt3A_100 : vector<16xi1>
        %ne3A = vector.broadcast %add3A_87 : i32 to vector<16xi32>
        %ne3A_102 = arith.cmpi ne, %add3A_35, %ne3A : vector<16xi32>
        %and3A_103 = arith.andi %and3A_101, %ne3A_102 : vector<16xi1>
        %le3A = arith.constant 1.000000e+02 : f32
        %le3A_104 = vector.broadcast %le3A : f32 to vector<16xf32>
        %le3A_105 = arith.cmpf ole, %add3A_98, %le3A_104 : vector<16xf32>
        %and3A_106 = arith.andi %and3A_103, %le3A_105 : vector<16xi1>
        %jit3A = arith.constant 3.000000e+38 : f32
        %broadcast_in_dim3A_107 = vector.broadcast %jit3A : f32 to vector<16xf32>
        %select_n3A = arith.select %and3A_106, %add3A_98, %broadcast_in_dim3A_107 : vector<16xi1>, vector<16xf32>
        %swap3A = arith.index_cast %while3A_85 : i32 to index
        %swap3A_108 = arith.constant 0 : index
        %swap3A_109 = tpu.vector_load %arg14[%swap3A, %swap3A_108] {strides = array<i32>} : memref<4096x16xf32, #tpu.memory_space<vmem>>, vector<16xf32>,
        tpu.vector_store %arg14[%swap3A, %swap3A_108], %select_n3A {strides = array<i32>} : memref<4096x16xf32, #tpu.memory_space<vmem>>, vector<16xf32>,
        %while3A_110 = arith.constant 0 : i32
        scf.yield %while3A_110 : i32
      }
      %add3A_49 = arith.constant 3 : i32
      %add3A_50 = arith.addi %sub3A, %add3A_49 : i32
      %and3A = arith.constant -4 : i32
      %and3A_51 = arith.andi %add3A_50, %and3A : i32
      %while3A_52 = arith.constant 0 : i32
      %while3A_53 = arith.subi %and3A_51, %sub3A : i32
      %while3A_54 = arith.addi %sub3A, %while3A_53 : i32
      %while3A_55 = arith.constant 1 : i32
      %while3A_56 = arith.divsi %while3A_53, %while3A_55 : i32
      %while3A_57 = arith.muli %while3A_56, %while3A_55 : i32
      %while3A_58 = arith.addi %sub3A, %while3A_57 : i32
      %while3A_59 = arith.constant 1 : i32
      %while3A_60 = scf.for %while3A_85 = %sub3A to %while3A_58 step %while3A_59 iter_args(%while3A_86 = %while3A_52) -> (i32)  : i32 {
        %broadcast_in_dim3A_87 = arith.constant 3.000000e+38 : f32
        %broadcast_in_dim3A_88 = vector.broadcast %broadcast_in_dim3A_87 : f32 to vector<16xf32>
        %swap3A = arith.index_cast %while3A_85 : i32 to index
        %swap3A_89 = arith.constant 0 : index
        %swap3A_90 = tpu.vector_load %arg14[%swap3A, %swap3A_89] {strides = array<i32>} : memref<4096x16xf32, #tpu.memory_space<vmem>>, vector<16xf32>,
        tpu.vector_store %arg14[%swap3A, %swap3A_89], %broadcast_in_dim3A_88 {strides = array<i32>} : memref<4096x16xf32, #tpu.memory_space<vmem>>, vector<16xf32>,
        %while3A_91 = arith.constant 0 : i32
        scf.yield %while3A_91 : i32
      }
      %while3A_61 = arith.constant 1 : i32
      %while3A_62 = scf.for %while3A_85 = %while3A_58 to %while3A_54 step %while3A_61 iter_args(%while3A_86 = %while3A_60) -> (i32)  : i32 {
        %broadcast_in_dim3A_87 = arith.constant 3.000000e+38 : f32
        %broadcast_in_dim3A_88 = vector.broadcast %broadcast_in_dim3A_87 : f32 to vector<16xf32>
        %swap3A = arith.index_cast %while3A_85 : i32 to index
        %swap3A_89 = arith.constant 0 : index
        %swap3A_90 = tpu.vector_load %arg14[%swap3A, %swap3A_89] {strides = array<i32>} : memref<4096x16xf32, #tpu.memory_space<vmem>>, vector<16xf32>,
        tpu.vector_store %arg14[%swap3A, %swap3A_89], %broadcast_in_dim3A_88 {strides = array<i32>} : memref<4096x16xf32, #tpu.memory_space<vmem>>, vector<16xf32>,
        %while3A_91 = arith.constant 0 : i32
        scf.yield %while3A_91 : i32
      }
      %mul3A_63 = arith.constant 16 : i32
      %mul3A_64 = arith.muli %scan3A_20, %mul3A_63 : i32
      %add3A_65 = vector.broadcast %mul3A_64 : i32 to vector<16xi32>
      %add3A_66 = arith.addi %add3A_65, %iota3A : vector<16xi32>
      %mul3A_67 = arith.constant 32 : i32
      %mul3A_68 = vector.broadcast %mul3A_67 : i32 to vector<16xi32>
      %mul3A_69 = arith.muli %add3A_66, %mul3A_68 : vector<16xi32>
      %broadcast_in_dim3A = arith.constant 0 : i32
      %broadcast_in_dim3A_70 = vector.broadcast %broadcast_in_dim3A : i32 to vector<16xi32>
      %shift_right_arithmetic3A = arith.constant 2 : i32
      %shift_right_arithmetic3A_71 = arith.shrsi %and3A_51, %shift_right_arithmetic3A : i32
      %while3A_72 = arith.constant 0 : i32
      %while3A_73 = arith.constant 0 : i32
      %while3A_74 = arith.subi %shift_right_arithmetic3A_71, %while3A_72 : i32
      %while3A_75 = arith.addi %while3A_72, %while3A_74 : i32
      %while3A_76 = arith.constant 1 : i32
      %while3A_77 = arith.divsi %while3A_74, %while3A_76 : i32
      %while3A_78 = arith.muli %while3A_77, %while3A_76 : i32
      %while3A_79 = arith.addi %while3A_72, %while3A_78 : i32
      %while3A_80 = arith.constant 1 : i32
      %while3A_81 = scf.for %while3A_85 = %while3A_72 to %while3A_79 step %while3A_80 iter_args(%while3A_86 = %while3A_73) -> (i32)  : i32 {
        %mul3A_87 = arith.constant 4 : i32
        %mul3A_88 = arith.muli %while3A_85, %mul3A_87 : i32
        %get3A_89 = arith.index_cast %mul3A_88 : i32 to index
        %get3A_90 = arith.constant 0 : index
        %get3A_91 = tpu.vector_load %arg14[%get3A_89, %get3A_90] {strides = array<i32>} : memref<4096x16xf32, #tpu.memory_space<vmem>>, vector<16xf32>,
        %add3A_92 = arith.constant 1 : i32
        %add3A_93 = arith.addi %mul3A_88, %add3A_92 : i32
        %get3A_94 = arith.index_cast %add3A_93 : i32 to index
        %get3A_95 = arith.constant 0 : index
        %get3A_96 = tpu.vector_load %arg14[%get3A_94, %get3A_95] {strides = array<i32>} : memref<4096x16xf32, #tpu.memory_space<vmem>>, vector<16xf32>,
        %add3A_97 = arith.constant 2 : i32
        %add3A_98 = arith.addi %mul3A_88, %add3A_97 : i32
        %get3A_99 = arith.index_cast %add3A_98 : i32 to index
        %get3A_100 = arith.constant 0 : index
        %get3A_101 = tpu.vector_load %arg14[%get3A_99, %get3A_100] {strides = array<i32>} : memref<4096x16xf32, #tpu.memory_space<vmem>>, vector<16xf32>,
        %add3A_102 = arith.constant 3 : i32
        %add3A_103 = arith.addi %mul3A_88, %add3A_102 : i32
        %get3A_104 = arith.index_cast %add3A_103 : i32 to index
        %get3A_105 = arith.constant 0 : index
        %get3A_106 = tpu.vector_load %arg14[%get3A_104, %get3A_105] {strides = array<i32>} : memref<4096x16xf32, #tpu.memory_space<vmem>>, vector<16xf32>,
        %while3A_107 = arith.constant 0 : i32
        %while3A_108 = arith.subi %while3A_85, %while3A_107 : i32
        %while3A_109 = arith.addi %while3A_107, %while3A_108 : i32
        %while3A_110 = arith.constant 1 : i32
        %while3A_111 = arith.divsi %while3A_108, %while3A_110 : i32
        %while3A_112 = arith.muli %while3A_111, %while3A_110 : i32
        %while3A_113 = arith.addi %while3A_107, %while3A_112 : i32
        %while3A_114 = arith.constant 1 : i32
        %while3A_115:4 = scf.for %while3A_333 = %while3A_107 to %while3A_113 step %while3A_114 iter_args(%while3A_334 = %broadcast_in_dim3A_70, %while3A_335 = %broadcast_in_dim3A_70, %while3A_336 = %broadcast_in_dim3A_70, %while3A_337 = %broadcast_in_dim3A_70) -> (vector<16xi32>, vector<16xi32>, vector<16xi32>, vector<16xi32>)  : i32 {
          %mul3A_338 = arith.constant 4 : i32
          %mul3A_339 = arith.muli %while3A_333, %mul3A_338 : i32
          %get3A_340 = arith.index_cast %mul3A_339 : i32 to index
          %get3A_341 = arith.constant 0 : index
          %get3A_342 = tpu.vector_load %arg14[%get3A_340, %get3A_341] {strides = array<i32>} : memref<4096x16xf32, #tpu.memory_space<vmem>>, vector<16xf32>,
          %add3A_343 = arith.constant 1 : i32
          %add3A_344 = arith.addi %mul3A_339, %add3A_343 : i32
          %get3A_345 = arith.index_cast %add3A_344 : i32 to index
          %get3A_346 = arith.constant 0 : index
          %get3A_347 = tpu.vector_load %arg14[%get3A_345, %get3A_346] {strides = array<i32>} : memref<4096x16xf32, #tpu.memory_space<vmem>>, vector<16xf32>,
          %add3A_348 = arith.constant 2 : i32
          %add3A_349 = arith.addi %mul3A_339, %add3A_348 : i32
          %get3A_350 = arith.index_cast %add3A_349 : i32 to index
          %get3A_351 = arith.constant 0 : index
          %get3A_352 = tpu.vector_load %arg14[%get3A_350, %get3A_351] {strides = array<i32>} : memref<4096x16xf32, #tpu.memory_space<vmem>>, vector<16xf32>,
          %add3A_353 = arith.constant 3 : i32
          %add3A_354 = arith.addi %mul3A_339, %add3A_353 : i32
          %get3A_355 = arith.index_cast %add3A_354 : i32 to index
          %get3A_356 = arith.constant 0 : index
          %get3A_357 = tpu.vector_load %arg14[%get3A_355, %get3A_356] {strides = array<i32>} : memref<4096x16xf32, #tpu.memory_space<vmem>>, vector<16xf32>,
          %le3A_358 = arith.cmpf ole, %get3A_342, %get3A_91 : vector<16xf32>
          %convert_element_type3A_359 = arith.extui %le3A_358 : vector<16xi1> to vector<16xi32>
          %add3A_360 = arith.addi %while3A_334, %convert_element_type3A_359 : vector<16xi32>
          %le3A_361 = arith.cmpf ole, %get3A_347, %get3A_91 : vector<16xf32>
          %convert_element_type3A_362 = arith.extui %le3A_361 : vector<16xi1> to vector<16xi32>
          %add3A_363 = arith.addi %add3A_360, %convert_element_type3A_362 : vector<16xi32>
          %le3A_364 = arith.cmpf ole, %get3A_352, %get3A_91 : vector<16xf32>
          %convert_element_type3A_365 = arith.extui %le3A_364 : vector<16xi1> to vector<16xi32>
          %add3A_366 = arith.addi %add3A_363, %convert_element_type3A_365 : vector<16xi32>
          %le3A_367 = arith.cmpf ole, %get3A_357, %get3A_91 : vector<16xf32>
          %convert_element_type3A_368 = arith.extui %le3A_367 : vector<16xi1> to vector<16xi32>
          %add3A_369 = arith.addi %add3A_366, %convert_element_type3A_368 : vector<16xi32>
          %le3A_370 = arith.cmpf ole, %get3A_342, %get3A_96 : vector<16xf32>
          %convert_element_type3A_371 = arith.extui %le3A_370 : vector<16xi1> to vector<16xi32>
          %add3A_372 = arith.addi %while3A_335, %convert_element_type3A_371 : vector<16xi32>
          %le3A_373 = arith.cmpf ole, %get3A_347, %get3A_96 : vector<16xf32>
          %convert_element_type3A_374 = arith.extui %le3A_373 : vector<16xi1> to vector<16xi32>
          %add3A_375 = arith.addi %add3A_372, %convert_element_type3A_374 : vector<16xi32>
          %le3A_376 = arith.cmpf ole, %get3A_352, %get3A_96 : vector<16xf32>
          %convert_element_type3A_377 = arith.extui %le3A_376 : vector<16xi1> to vector<16xi32>
          %add3A_378 = arith.addi %add3A_375, %convert_element_type3A_377 : vector<16xi32>
          %le3A_379 = arith.cmpf ole, %get3A_357, %get3A_96 : vector<16xf32>
          %convert_element_type3A_380 = arith.extui %le3A_379 : vector<16xi1> to vector<16xi32>
          %add3A_381 = arith.addi %add3A_378, %convert_element_type3A_380 : vector<16xi32>
          %le3A_382 = arith.cmpf ole, %get3A_342, %get3A_101 : vector<16xf32>
          %convert_element_type3A_383 = arith.extui %le3A_382 : vector<16xi1> to vector<16xi32>
          %add3A_384 = arith.addi %while3A_336, %convert_element_type3A_383 : vector<16xi32>
          %le3A_385 = arith.cmpf ole, %get3A_347, %get3A_101 : vector<16xf32>
          %convert_element_type3A_386 = arith.extui %le3A_385 : vector<16xi1> to vector<16xi32>
          %add3A_387 = arith.addi %add3A_384, %convert_element_type3A_386 : vector<16xi32>
          %le3A_388 = arith.cmpf ole, %get3A_352, %get3A_101 : vector<16xf32>
          %convert_element_type3A_389 = arith.extui %le3A_388 : vector<16xi1> to vector<16xi32>
          %add3A_390 = arith.addi %add3A_387, %convert_element_type3A_389 : vector<16xi32>
          %le3A_391 = arith.cmpf ole, %get3A_357, %get3A_101 : vector<16xf32>
          %convert_element_type3A_392 = arith.extui %le3A_391 : vector<16xi1> to vector<16xi32>
          %add3A_393 = arith.addi %add3A_390, %convert_element_type3A_392 : vector<16xi32>
          %le3A_394 = arith.cmpf ole, %get3A_342, %get3A_106 : vector<16xf32>
          %convert_element_type3A_395 = arith.extui %le3A_394 : vector<16xi1> to vector<16xi32>
          %add3A_396 = arith.addi %while3A_337, %convert_element_type3A_395 : vector<16xi32>
          %le3A_397 = arith.cmpf ole, %get3A_347, %get3A_106 : vector<16xf32>
          %convert_element_type3A_398 = arith.extui %le3A_397 : vector<16xi1> to vector<16xi32>
          %add3A_399 = arith.addi %add3A_396, %convert_element_type3A_398 : vector<16xi32>
          %le3A_400 = arith.cmpf ole, %get3A_352, %get3A_106 : vector<16xf32>
          %convert_element_type3A_401 = arith.extui %le3A_400 : vector<16xi1> to vector<16xi32>
          %add3A_402 = arith.addi %add3A_399, %convert_element_type3A_401 : vector<16xi32>
          %le3A_403 = arith.cmpf ole, %get3A_357, %get3A_106 : vector<16xf32>
          %convert_element_type3A_404 = arith.extui %le3A_403 : vector<16xi1> to vector<16xi32>
          %add3A_405 = arith.addi %add3A_402, %convert_element_type3A_404 : vector<16xi32>
          scf.yield %add3A_369, %add3A_381, %add3A_393, %add3A_405 : vector<16xi32>, vector<16xi32>, vector<16xi32>, vector<16xi32>
        }
        %while3A_116 = arith.constant 1 : i32
        %while3A_117:4 = scf.for %while3A_333 = %while3A_113 to %while3A_109 step %while3A_116 iter_args(%while3A_334 = %while3A_115#0, %while3A_335 = %while3A_115#1, %while3A_336 = %while3A_115#2, %while3A_337 = %while3A_115#3) -> (vector<16xi32>, vector<16xi32>, vector<16xi32>, vector<16xi32>)  : i32 {
          %mul3A_338 = arith.constant 4 : i32
          %mul3A_339 = arith.muli %while3A_333, %mul3A_338 : i32
          %get3A_340 = arith.index_cast %mul3A_339 : i32 to index
          %get3A_341 = arith.constant 0 : index
          %get3A_342 = tpu.vector_load %arg14[%get3A_340, %get3A_341] {strides = array<i32>} : memref<4096x16xf32, #tpu.memory_space<vmem>>, vector<16xf32>,
          %add3A_343 = arith.constant 1 : i32
          %add3A_344 = arith.addi %mul3A_339, %add3A_343 : i32
          %get3A_345 = arith.index_cast %add3A_344 : i32 to index
          %get3A_346 = arith.constant 0 : index
          %get3A_347 = tpu.vector_load %arg14[%get3A_345, %get3A_346] {strides = array<i32>} : memref<4096x16xf32, #tpu.memory_space<vmem>>, vector<16xf32>,
          %add3A_348 = arith.constant 2 : i32
          %add3A_349 = arith.addi %mul3A_339, %add3A_348 : i32
          %get3A_350 = arith.index_cast %add3A_349 : i32 to index
          %get3A_351 = arith.constant 0 : index
          %get3A_352 = tpu.vector_load %arg14[%get3A_350, %get3A_351] {strides = array<i32>} : memref<4096x16xf32, #tpu.memory_space<vmem>>, vector<16xf32>,
          %add3A_353 = arith.constant 3 : i32
          %add3A_354 = arith.addi %mul3A_339, %add3A_353 : i32
          %get3A_355 = arith.index_cast %add3A_354 : i32 to index
          %get3A_356 = arith.constant 0 : index
          %get3A_357 = tpu.vector_load %arg14[%get3A_355, %get3A_356] {strides = array<i32>} : memref<4096x16xf32, #tpu.memory_space<vmem>>, vector<16xf32>,
          %le3A_358 = arith.cmpf ole, %get3A_342, %get3A_91 : vector<16xf32>
          %convert_element_type3A_359 = arith.extui %le3A_358 : vector<16xi1> to vector<16xi32>
          %add3A_360 = arith.addi %while3A_334, %convert_element_type3A_359 : vector<16xi32>
          %le3A_361 = arith.cmpf ole, %get3A_347, %get3A_91 : vector<16xf32>
          %convert_element_type3A_362 = arith.extui %le3A_361 : vector<16xi1> to vector<16xi32>
          %add3A_363 = arith.addi %add3A_360, %convert_element_type3A_362 : vector<16xi32>
          %le3A_364 = arith.cmpf ole, %get3A_352, %get3A_91 : vector<16xf32>
          %convert_element_type3A_365 = arith.extui %le3A_364 : vector<16xi1> to vector<16xi32>
          %add3A_366 = arith.addi %add3A_363, %convert_element_type3A_365 : vector<16xi32>
          %le3A_367 = arith.cmpf ole, %get3A_357, %get3A_91 : vector<16xf32>
          %convert_element_type3A_368 = arith.extui %le3A_367 : vector<16xi1> to vector<16xi32>
          %add3A_369 = arith.addi %add3A_366, %convert_element_type3A_368 : vector<16xi32>
          %le3A_370 = arith.cmpf ole, %get3A_342, %get3A_96 : vector<16xf32>
          %convert_element_type3A_371 = arith.extui %le3A_370 : vector<16xi1> to vector<16xi32>
          %add3A_372 = arith.addi %while3A_335, %convert_element_type3A_371 : vector<16xi32>
          %le3A_373 = arith.cmpf ole, %get3A_347, %get3A_96 : vector<16xf32>
          %convert_element_type3A_374 = arith.extui %le3A_373 : vector<16xi1> to vector<16xi32>
          %add3A_375 = arith.addi %add3A_372, %convert_element_type3A_374 : vector<16xi32>
          %le3A_376 = arith.cmpf ole, %get3A_352, %get3A_96 : vector<16xf32>
          %convert_element_type3A_377 = arith.extui %le3A_376 : vector<16xi1> to vector<16xi32>
          %add3A_378 = arith.addi %add3A_375, %convert_element_type3A_377 : vector<16xi32>
          %le3A_379 = arith.cmpf ole, %get3A_357, %get3A_96 : vector<16xf32>
          %convert_element_type3A_380 = arith.extui %le3A_379 : vector<16xi1> to vector<16xi32>
          %add3A_381 = arith.addi %add3A_378, %convert_element_type3A_380 : vector<16xi32>
          %le3A_382 = arith.cmpf ole, %get3A_342, %get3A_101 : vector<16xf32>
          %convert_element_type3A_383 = arith.extui %le3A_382 : vector<16xi1> to vector<16xi32>
          %add3A_384 = arith.addi %while3A_336, %convert_element_type3A_383 : vector<16xi32>
          %le3A_385 = arith.cmpf ole, %get3A_347, %get3A_101 : vector<16xf32>
          %convert_element_type3A_386 = arith.extui %le3A_385 : vector<16xi1> to vector<16xi32>
          %add3A_387 = arith.addi %add3A_384, %convert_element_type3A_386 : vector<16xi32>
          %le3A_388 = arith.cmpf ole, %get3A_352, %get3A_101 : vector<16xf32>
          %convert_element_type3A_389 = arith.extui %le3A_388 : vector<16xi1> to vector<16xi32>
          %add3A_390 = arith.addi %add3A_387, %convert_element_type3A_389 : vector<16xi32>
          %le3A_391 = arith.cmpf ole, %get3A_357, %get3A_101 : vector<16xf32>
          %convert_element_type3A_392 = arith.extui %le3A_391 : vector<16xi1> to vector<16xi32>
          %add3A_393 = arith.addi %add3A_390, %convert_element_type3A_392 : vector<16xi32>
          %le3A_394 = arith.cmpf ole, %get3A_342, %get3A_106 : vector<16xf32>
          %convert_element_type3A_395 = arith.extui %le3A_394 : vector<16xi1> to vector<16xi32>
          %add3A_396 = arith.addi %while3A_337, %convert_element_type3A_395 : vector<16xi32>
          %le3A_397 = arith.cmpf ole, %get3A_347, %get3A_106 : vector<16xf32>
          %convert_element_type3A_398 = arith.extui %le3A_397 : vector<16xi1> to vector<16xi32>
          %add3A_399 = arith.addi %add3A_396, %convert_element_type3A_398 : vector<16xi32>
          %le3A_400 = arith.cmpf ole, %get3A_352, %get3A_106 : vector<16xf32>
          %convert_element_type3A_401 = arith.extui %le3A_400 : vector<16xi1> to vector<16xi32>
          %add3A_402 = arith.addi %add3A_399, %convert_element_type3A_401 : vector<16xi32>
          %le3A_403 = arith.cmpf ole, %get3A_357, %get3A_106 : vector<16xf32>
          %convert_element_type3A_404 = arith.extui %le3A_403 : vector<16xi1> to vector<16xi32>
          %add3A_405 = arith.addi %add3A_402, %convert_element_type3A_404 : vector<16xi32>
          scf.yield %add3A_369, %add3A_381, %add3A_393, %add3A_405 : vector<16xi32>, vector<16xi32>, vector<16xi32>, vector<16xi32>
        }
        %add3A_118 = arith.constant 1 : i32
        %add3A_119 = arith.addi %while3A_85, %add3A_118 : i32
        %shift_right_arithmetic3A_120 = arith.constant 2 : i32
        %shift_right_arithmetic3A_121 = arith.shrsi %and3A_51, %shift_right_arithmetic3A_120 : i32
        %while3A_122 = arith.subi %shift_right_arithmetic3A_121, %add3A_119 : i32
        %while3A_123 = arith.addi %add3A_119, %while3A_122 : i32
        %while3A_124 = arith.constant 1 : i32
        %while3A_125 = arith.divsi %while3A_122, %while3A_124 : i32
        %while3A_126 = arith.muli %while3A_125, %while3A_124 : i32
        %while3A_127 = arith.addi %add3A_119, %while3A_126 : i32
        %while3A_128 = arith.constant 1 : i32
        %while3A_129:4 = scf.for %while3A_333 = %add3A_119 to %while3A_127 step %while3A_128 iter_args(%while3A_334 = %while3A_117#0, %while3A_335 = %while3A_117#1, %while3A_336 = %while3A_117#2, %while3A_337 = %while3A_117#3) -> (vector<16xi32>, vector<16xi32>, vector<16xi32>, vector<16xi32>)  : i32 {
          %mul3A_338 = arith.constant 4 : i32
          %mul3A_339 = arith.muli %while3A_333, %mul3A_338 : i32
          %get3A_340 = arith.index_cast %mul3A_339 : i32 to index
          %get3A_341 = arith.constant 0 : index
          %get3A_342 = tpu.vector_load %arg14[%get3A_340, %get3A_341] {strides = array<i32>} : memref<4096x16xf32, #tpu.memory_space<vmem>>, vector<16xf32>,
          %add3A_343 = arith.constant 1 : i32
          %add3A_344 = arith.addi %mul3A_339, %add3A_343 : i32
          %get3A_345 = arith.index_cast %add3A_344 : i32 to index
          %get3A_346 = arith.constant 0 : index
          %get3A_347 = tpu.vector_load %arg14[%get3A_345, %get3A_346] {strides = array<i32>} : memref<4096x16xf32, #tpu.memory_space<vmem>>, vector<16xf32>,
          %add3A_348 = arith.constant 2 : i32
          %add3A_349 = arith.addi %mul3A_339, %add3A_348 : i32
          %get3A_350 = arith.index_cast %add3A_349 : i32 to index
          %get3A_351 = arith.constant 0 : index
          %get3A_352 = tpu.vector_load %arg14[%get3A_350, %get3A_351] {strides = array<i32>} : memref<4096x16xf32, #tpu.memory_space<vmem>>, vector<16xf32>,
          %add3A_353 = arith.constant 3 : i32
          %add3A_354 = arith.addi %mul3A_339, %add3A_353 : i32
          %get3A_355 = arith.index_cast %add3A_354 : i32 to index
          %get3A_356 = arith.constant 0 : index
          %get3A_357 = tpu.vector_load %arg14[%get3A_355, %get3A_356] {strides = array<i32>} : memref<4096x16xf32, #tpu.memory_space<vmem>>, vector<16xf32>,
          %lt3A_358 = arith.cmpf olt, %get3A_342, %get3A_91 : vector<16xf32>
          %convert_element_type3A_359 = arith.extui %lt3A_358 : vector<16xi1> to vector<16xi32>
          %add3A_360 = arith.addi %while3A_334, %convert_element_type3A_359 : vector<16xi32>
          %lt3A_361 = arith.cmpf olt, %get3A_347, %get3A_91 : vector<16xf32>
          %convert_element_type3A_362 = arith.extui %lt3A_361 : vector<16xi1> to vector<16xi32>
          %add3A_363 = arith.addi %add3A_360, %convert_element_type3A_362 : vector<16xi32>
          %lt3A_364 = arith.cmpf olt, %get3A_352, %get3A_91 : vector<16xf32>
          %convert_element_type3A_365 = arith.extui %lt3A_364 : vector<16xi1> to vector<16xi32>
          %add3A_366 = arith.addi %add3A_363, %convert_element_type3A_365 : vector<16xi32>
          %lt3A_367 = arith.cmpf olt, %get3A_357, %get3A_91 : vector<16xf32>
          %convert_element_type3A_368 = arith.extui %lt3A_367 : vector<16xi1> to vector<16xi32>
          %add3A_369 = arith.addi %add3A_366, %convert_element_type3A_368 : vector<16xi32>
          %lt3A_370 = arith.cmpf olt, %get3A_342, %get3A_96 : vector<16xf32>
          %convert_element_type3A_371 = arith.extui %lt3A_370 : vector<16xi1> to vector<16xi32>
          %add3A_372 = arith.addi %while3A_335, %convert_element_type3A_371 : vector<16xi32>
          %lt3A_373 = arith.cmpf olt, %get3A_347, %get3A_96 : vector<16xf32>
          %convert_element_type3A_374 = arith.extui %lt3A_373 : vector<16xi1> to vector<16xi32>
          %add3A_375 = arith.addi %add3A_372, %convert_element_type3A_374 : vector<16xi32>
          %lt3A_376 = arith.cmpf olt, %get3A_352, %get3A_96 : vector<16xf32>
          %convert_element_type3A_377 = arith.extui %lt3A_376 : vector<16xi1> to vector<16xi32>
          %add3A_378 = arith.addi %add3A_375, %convert_element_type3A_377 : vector<16xi32>
          %lt3A_379 = arith.cmpf olt, %get3A_357, %get3A_96 : vector<16xf32>
          %convert_element_type3A_380 = arith.extui %lt3A_379 : vector<16xi1> to vector<16xi32>
          %add3A_381 = arith.addi %add3A_378, %convert_element_type3A_380 : vector<16xi32>
          %lt3A_382 = arith.cmpf olt, %get3A_342, %get3A_101 : vector<16xf32>
          %convert_element_type3A_383 = arith.extui %lt3A_382 : vector<16xi1> to vector<16xi32>
          %add3A_384 = arith.addi %while3A_336, %convert_element_type3A_383 : vector<16xi32>
          %lt3A_385 = arith.cmpf olt, %get3A_347, %get3A_101 : vector<16xf32>
          %convert_element_type3A_386 = arith.extui %lt3A_385 : vector<16xi1> to vector<16xi32>
          %add3A_387 = arith.addi %add3A_384, %convert_element_type3A_386 : vector<16xi32>
          %lt3A_388 = arith.cmpf olt, %get3A_352, %get3A_101 : vector<16xf32>
          %convert_element_type3A_389 = arith.extui %lt3A_388 : vector<16xi1> to vector<16xi32>
          %add3A_390 = arith.addi %add3A_387, %convert_element_type3A_389 : vector<16xi32>
          %lt3A_391 = arith.cmpf olt, %get3A_357, %get3A_101 : vector<16xf32>
          %convert_element_type3A_392 = arith.extui %lt3A_391 : vector<16xi1> to vector<16xi32>
          %add3A_393 = arith.addi %add3A_390, %convert_element_type3A_392 : vector<16xi32>
          %lt3A_394 = arith.cmpf olt, %get3A_342, %get3A_106 : vector<16xf32>
          %convert_element_type3A_395 = arith.extui %lt3A_394 : vector<16xi1> to vector<16xi32>
          %add3A_396 = arith.addi %while3A_337, %convert_element_type3A_395 : vector<16xi32>
          %lt3A_397 = arith.cmpf olt, %get3A_347, %get3A_106 : vector<16xf32>
          %convert_element_type3A_398 = arith.extui %lt3A_397 : vector<16xi1> to vector<16xi32>
          %add3A_399 = arith.addi %add3A_396, %convert_element_type3A_398 : vector<16xi32>
          %lt3A_400 = arith.cmpf olt, %get3A_352, %get3A_106 : vector<16xf32>
          %convert_element_type3A_401 = arith.extui %lt3A_400 : vector<16xi1> to vector<16xi32>
          %add3A_402 = arith.addi %add3A_399, %convert_element_type3A_401 : vector<16xi32>
          %lt3A_403 = arith.cmpf olt, %get3A_357, %get3A_106 : vector<16xf32>
          %convert_element_type3A_404 = arith.extui %lt3A_403 : vector<16xi1> to vector<16xi32>
          %add3A_405 = arith.addi %add3A_402, %convert_element_type3A_404 : vector<16xi32>
          scf.yield %add3A_369, %add3A_381, %add3A_393, %add3A_405 : vector<16xi32>, vector<16xi32>, vector<16xi32>, vector<16xi32>
        }
        %while3A_130 = arith.constant 1 : i32
        %while3A_131:4 = scf.for %while3A_333 = %while3A_127 to %while3A_123 step %while3A_130 iter_args(%while3A_334 = %while3A_129#0, %while3A_335 = %while3A_129#1, %while3A_336 = %while3A_129#2, %while3A_337 = %while3A_129#3) -> (vector<16xi32>, vector<16xi32>, vector<16xi32>, vector<16xi32>)  : i32 {
          %mul3A_338 = arith.constant 4 : i32
          %mul3A_339 = arith.muli %while3A_333, %mul3A_338 : i32
          %get3A_340 = arith.index_cast %mul3A_339 : i32 to index
          %get3A_341 = arith.constant 0 : index
          %get3A_342 = tpu.vector_load %arg14[%get3A_340, %get3A_341] {strides = array<i32>} : memref<4096x16xf32, #tpu.memory_space<vmem>>, vector<16xf32>,
          %add3A_343 = arith.constant 1 : i32
          %add3A_344 = arith.addi %mul3A_339, %add3A_343 : i32
          %get3A_345 = arith.index_cast %add3A_344 : i32 to index
          %get3A_346 = arith.constant 0 : index
          %get3A_347 = tpu.vector_load %arg14[%get3A_345, %get3A_346] {strides = array<i32>} : memref<4096x16xf32, #tpu.memory_space<vmem>>, vector<16xf32>,
          %add3A_348 = arith.constant 2 : i32
          %add3A_349 = arith.addi %mul3A_339, %add3A_348 : i32
          %get3A_350 = arith.index_cast %add3A_349 : i32 to index
          %get3A_351 = arith.constant 0 : index
          %get3A_352 = tpu.vector_load %arg14[%get3A_350, %get3A_351] {strides = array<i32>} : memref<4096x16xf32, #tpu.memory_space<vmem>>, vector<16xf32>,
          %add3A_353 = arith.constant 3 : i32
          %add3A_354 = arith.addi %mul3A_339, %add3A_353 : i32
          %get3A_355 = arith.index_cast %add3A_354 : i32 to index
          %get3A_356 = arith.constant 0 : index
          %get3A_357 = tpu.vector_load %arg14[%get3A_355, %get3A_356] {strides = array<i32>} : memref<4096x16xf32, #tpu.memory_space<vmem>>, vector<16xf32>,
          %lt3A_358 = arith.cmpf olt, %get3A_342, %get3A_91 : vector<16xf32>
          %convert_element_type3A_359 = arith.extui %lt3A_358 : vector<16xi1> to vector<16xi32>
          %add3A_360 = arith.addi %while3A_334, %convert_element_type3A_359 : vector<16xi32>
          %lt3A_361 = arith.cmpf olt, %get3A_347, %get3A_91 : vector<16xf32>
          %convert_element_type3A_362 = arith.extui %lt3A_361 : vector<16xi1> to vector<16xi32>
          %add3A_363 = arith.addi %add3A_360, %convert_element_type3A_362 : vector<16xi32>
          %lt3A_364 = arith.cmpf olt, %get3A_352, %get3A_91 : vector<16xf32>
          %convert_element_type3A_365 = arith.extui %lt3A_364 : vector<16xi1> to vector<16xi32>
          %add3A_366 = arith.addi %add3A_363, %convert_element_type3A_365 : vector<16xi32>
          %lt3A_367 = arith.cmpf olt, %get3A_357, %get3A_91 : vector<16xf32>
          %convert_element_type3A_368 = arith.extui %lt3A_367 : vector<16xi1> to vector<16xi32>
          %add3A_369 = arith.addi %add3A_366, %convert_element_type3A_368 : vector<16xi32>
          %lt3A_370 = arith.cmpf olt, %get3A_342, %get3A_96 : vector<16xf32>
          %convert_element_type3A_371 = arith.extui %lt3A_370 : vector<16xi1> to vector<16xi32>
          %add3A_372 = arith.addi %while3A_335, %convert_element_type3A_371 : vector<16xi32>
          %lt3A_373 = arith.cmpf olt, %get3A_347, %get3A_96 : vector<16xf32>
          %convert_element_type3A_374 = arith.extui %lt3A_373 : vector<16xi1> to vector<16xi32>
          %add3A_375 = arith.addi %add3A_372, %convert_element_type3A_374 : vector<16xi32>
          %lt3A_376 = arith.cmpf olt, %get3A_352, %get3A_96 : vector<16xf32>
          %convert_element_type3A_377 = arith.extui %lt3A_376 : vector<16xi1> to vector<16xi32>
          %add3A_378 = arith.addi %add3A_375, %convert_element_type3A_377 : vector<16xi32>
          %lt3A_379 = arith.cmpf olt, %get3A_357, %get3A_96 : vector<16xf32>
          %convert_element_type3A_380 = arith.extui %lt3A_379 : vector<16xi1> to vector<16xi32>
          %add3A_381 = arith.addi %add3A_378, %convert_element_type3A_380 : vector<16xi32>
          %lt3A_382 = arith.cmpf olt, %get3A_342, %get3A_101 : vector<16xf32>
          %convert_element_type3A_383 = arith.extui %lt3A_382 : vector<16xi1> to vector<16xi32>
          %add3A_384 = arith.addi %while3A_336, %convert_element_type3A_383 : vector<16xi32>
          %lt3A_385 = arith.cmpf olt, %get3A_347, %get3A_101 : vector<16xf32>
          %convert_element_type3A_386 = arith.extui %lt3A_385 : vector<16xi1> to vector<16xi32>
          %add3A_387 = arith.addi %add3A_384, %convert_element_type3A_386 : vector<16xi32>
          %lt3A_388 = arith.cmpf olt, %get3A_352, %get3A_101 : vector<16xf32>
          %convert_element_type3A_389 = arith.extui %lt3A_388 : vector<16xi1> to vector<16xi32>
          %add3A_390 = arith.addi %add3A_387, %convert_element_type3A_389 : vector<16xi32>
          %lt3A_391 = arith.cmpf olt, %get3A_357, %get3A_101 : vector<16xf32>
          %convert_element_type3A_392 = arith.extui %lt3A_391 : vector<16xi1> to vector<16xi32>
          %add3A_393 = arith.addi %add3A_390, %convert_element_type3A_392 : vector<16xi32>
          %lt3A_394 = arith.cmpf olt, %get3A_342, %get3A_106 : vector<16xf32>
          %convert_element_type3A_395 = arith.extui %lt3A_394 : vector<16xi1> to vector<16xi32>
          %add3A_396 = arith.addi %while3A_337, %convert_element_type3A_395 : vector<16xi32>
          %lt3A_397 = arith.cmpf olt, %get3A_347, %get3A_106 : vector<16xf32>
          %convert_element_type3A_398 = arith.extui %lt3A_397 : vector<16xi1> to vector<16xi32>
          %add3A_399 = arith.addi %add3A_396, %convert_element_type3A_398 : vector<16xi32>
          %lt3A_400 = arith.cmpf olt, %get3A_352, %get3A_106 : vector<16xf32>
          %convert_element_type3A_401 = arith.extui %lt3A_400 : vector<16xi1> to vector<16xi32>
          %add3A_402 = arith.addi %add3A_399, %convert_element_type3A_401 : vector<16xi32>
          %lt3A_403 = arith.cmpf olt, %get3A_357, %get3A_106 : vector<16xf32>
          %convert_element_type3A_404 = arith.extui %lt3A_403 : vector<16xi1> to vector<16xi32>
          %add3A_405 = arith.addi %add3A_402, %convert_element_type3A_404 : vector<16xi32>
          scf.yield %add3A_369, %add3A_381, %add3A_393, %add3A_405 : vector<16xi32>, vector<16xi32>, vector<16xi32>, vector<16xi32>
        }
        %lt3A = arith.cmpf olt, %get3A_96, %get3A_91 : vector<16xf32>
        %convert_element_type3A = arith.extui %lt3A : vector<16xi1> to vector<16xi32>
        %add3A_132 = arith.addi %while3A_131#0, %convert_element_type3A : vector<16xi32>
        %lt3A_133 = arith.cmpf olt, %get3A_101, %get3A_91 : vector<16xf32>
        %convert_element_type3A_134 = arith.extui %lt3A_133 : vector<16xi1> to vector<16xi32>
        %add3A_135 = arith.addi %add3A_132, %convert_element_type3A_134 : vector<16xi32>
        %lt3A_136 = arith.cmpf olt, %get3A_106, %get3A_91 : vector<16xf32>
        %convert_element_type3A_137 = arith.extui %lt3A_136 : vector<16xi1> to vector<16xi32>
        %add3A_138 = arith.addi %add3A_135, %convert_element_type3A_137 : vector<16xi32>
        %le3A = arith.cmpf ole, %get3A_91, %get3A_96 : vector<16xf32>
        %convert_element_type3A_139 = arith.extui %le3A : vector<16xi1> to vector<16xi32>
        %add3A_140 = arith.addi %while3A_131#1, %convert_element_type3A_139 : vector<16xi32>
        %lt3A_141 = arith.cmpf olt, %get3A_101, %get3A_96 : vector<16xf32>
        %convert_element_type3A_142 = arith.extui %lt3A_141 : vector<16xi1> to vector<16xi32>
        %add3A_143 = arith.addi %add3A_140, %convert_element_type3A_142 : vector<16xi32>
        %lt3A_144 = arith.cmpf olt, %get3A_106, %get3A_96 : vector<16xf32>
        %convert_element_type3A_145 = arith.extui %lt3A_144 : vector<16xi1> to vector<16xi32>
        %add3A_146 = arith.addi %add3A_143, %convert_element_type3A_145 : vector<16xi32>
        %le3A_147 = arith.cmpf ole, %get3A_91, %get3A_101 : vector<16xf32>
        %convert_element_type3A_148 = arith.extui %le3A_147 : vector<16xi1> to vector<16xi32>
        %add3A_149 = arith.addi %while3A_131#2, %convert_element_type3A_148 : vector<16xi32>
        %le3A_150 = arith.cmpf ole, %get3A_96, %get3A_101 : vector<16xf32>
        %convert_element_type3A_151 = arith.extui %le3A_150 : vector<16xi1> to vector<16xi32>
        %add3A_152 = arith.addi %add3A_149, %convert_element_type3A_151 : vector<16xi32>
        %lt3A_153 = arith.cmpf olt, %get3A_106, %get3A_101 : vector<16xf32>
        %convert_element_type3A_154 = arith.extui %lt3A_153 : vector<16xi1> to vector<16xi32>
        %add3A_155 = arith.addi %add3A_152, %convert_element_type3A_154 : vector<16xi32>
        %le3A_156 = arith.cmpf ole, %get3A_91, %get3A_106 : vector<16xf32>
        %convert_element_type3A_157 = arith.extui %le3A_156 : vector<16xi1> to vector<16xi32>
        %add3A_158 = arith.addi %while3A_131#3, %convert_element_type3A_157 : vector<16xi32>
        %le3A_159 = arith.cmpf ole, %get3A_96, %get3A_106 : vector<16xf32>
        %convert_element_type3A_160 = arith.extui %le3A_159 : vector<16xi1> to vector<16xi32>
        %add3A_161 = arith.addi %add3A_158, %convert_element_type3A_160 : vector<16xi32>
        %le3A_162 = arith.cmpf ole, %get3A_101, %get3A_106 : vector<16xf32>
        %convert_element_type3A_163 = arith.extui %le3A_162 : vector<16xi1> to vector<16xi32>
        %add3A_164 = arith.addi %add3A_161, %convert_element_type3A_163 : vector<16xi32>
        %le3A_165 = arith.constant 1.000000e+02 : f32
        %le3A_166 = vector.broadcast %le3A_165 : f32 to vector<16xf32>
        %le3A_167 = arith.cmpf ole, %get3A_91, %le3A_166 : vector<16xf32>
        %lt3A_168 = arith.constant 32 : i32
        %lt3A_169 = vector.broadcast %lt3A_168 : i32 to vector<16xi32>
        %lt3A_170 = arith.cmpi slt, %add3A_138, %lt3A_169 : vector<16xi32>
        %and3A_171 = arith.andi %le3A_167, %lt3A_170 : vector<16xi1>
        %add3A_172 = arith.addi %mul3A_69, %add3A_138 : vector<16xi32>
        %add3A_173 = arith.addi %squeeze3A, %mul3A_88 : i32
        %add3A_174 = arith.constant 0 : i32
        %add3A_175 = arith.addi %add3A_173, %add3A_174 : i32
        %broadcast_in_dim3A_176 = vector.broadcast %add3A_175 : i32 to vector<16xi32>
        tpu.vector_store_idx %arg15[%add3A_172], %broadcast_in_dim3A_176 masked %and3A_171 : memref<4096xi32, #tpu.memory_space<vmem>>[vector<16xi32>], vector<16xi32>, vector<16xi1>
        %bitcast_convert_type3A = tpu.bitcast %get3A_91 : vector<16xf32> -> vector<16xi32>
        %shift_right_arithmetic3A_177 = arith.constant 1 : i32
        %shift_right_arithmetic3A_178 = vector.broadcast %shift_right_arithmetic3A_177 : i32 to vector<16xi32>
        %shift_right_arithmetic3A_179 = arith.shrsi %bitcast_convert_type3A, %shift_right_arithmetic3A_178 : vector<16xi32>
        %sub3A_180 = arith.constant 1597463007 : i32
        %sub3A_181 = vector.broadcast %sub3A_180 : i32 to vector<16xi32>
        %sub3A_182 = arith.subi %sub3A_181, %shift_right_arithmetic3A_179 : vector<16xi32>
        %bitcast_convert_type3A_183 = tpu.bitcast %sub3A_182 : vector<16xi32> -> vector<16xf32>
        %mul3A_184 = arith.constant 5.000000e-01 : f32
        %mul3A_185 = vector.broadcast %mul3A_184 : f32 to vector<16xf32>
        %mul3A_186 = arith.mulf %mul3A_185, %get3A_91 : vector<16xf32>
        %mul3A_187 = arith.mulf %mul3A_186, %bitcast_convert_type3A_183 : vector<16xf32>
        %mul3A_188 = arith.mulf %mul3A_187, %bitcast_convert_type3A_183 : vector<16xf32>
        %sub3A_189 = arith.constant 1.500000e+00 : f32
        %sub3A_190 = vector.broadcast %sub3A_189 : f32 to vector<16xf32>
        %sub3A_191 = arith.subf %sub3A_190, %mul3A_188 : vector<16xf32>
        %mul3A_192 = arith.mulf %bitcast_convert_type3A_183, %sub3A_191 : vector<16xf32>
        %mul3A_193 = arith.mulf %mul3A_186, %mul3A_192 : vector<16xf32>
        %mul3A_194 = arith.mulf %mul3A_193, %mul3A_192 : vector<16xf32>
        %sub3A_195 = arith.constant 1.500000e+00 : f32
        %sub3A_196 = vector.broadcast %sub3A_195 : f32 to vector<16xf32>
        %sub3A_197 = arith.subf %sub3A_196, %mul3A_194 : vector<16xf32>
        %mul3A_198 = arith.mulf %mul3A_192, %sub3A_197 : vector<16xf32>
        %mul3A_199 = arith.mulf %mul3A_186, %mul3A_198 : vector<16xf32>
        %mul3A_200 = arith.mulf %mul3A_199, %mul3A_198 : vector<16xf32>
        %sub3A_201 = arith.constant 1.500000e+00 : f32
        %sub3A_202 = vector.broadcast %sub3A_201 : f32 to vector<16xf32>
        %sub3A_203 = arith.subf %sub3A_202, %mul3A_200 : vector<16xf32>
        %mul3A_204 = arith.mulf %mul3A_198, %sub3A_203 : vector<16xf32>
        %mul3A_205 = arith.mulf %get3A_91, %mul3A_204 : vector<16xf32>
        tpu.vector_store_idx %arg16[%add3A_172], %mul3A_205 masked %and3A_171 : memref<4096xf32, #tpu.memory_space<vmem>>[vector<16xi32>], vector<16xf32>, vector<16xi1>
        %le3A_206 = arith.constant 1.000000e+02 : f32
        %le3A_207 = vector.broadcast %le3A_206 : f32 to vector<16xf32>
        %le3A_208 = arith.cmpf ole, %get3A_96, %le3A_207 : vector<16xf32>
        %lt3A_209 = arith.constant 32 : i32
        %lt3A_210 = vector.broadcast %lt3A_209 : i32 to vector<16xi32>
        %lt3A_211 = arith.cmpi slt, %add3A_146, %lt3A_210 : vector<16xi32>
        %and3A_212 = arith.andi %le3A_208, %lt3A_211 : vector<16xi1>
        %add3A_213 = arith.addi %mul3A_69, %add3A_146 : vector<16xi32>
        %add3A_214 = arith.addi %squeeze3A, %mul3A_88 : i32
        %add3A_215 = arith.constant 1 : i32
        %add3A_216 = arith.addi %add3A_214, %add3A_215 : i32
        %broadcast_in_dim3A_217 = vector.broadcast %add3A_216 : i32 to vector<16xi32>
        tpu.vector_store_idx %arg15[%add3A_213], %broadcast_in_dim3A_217 masked %and3A_212 : memref<4096xi32, #tpu.memory_space<vmem>>[vector<16xi32>], vector<16xi32>, vector<16xi1>
        %bitcast_convert_type3A_218 = tpu.bitcast %get3A_96 : vector<16xf32> -> vector<16xi32>
        %shift_right_arithmetic3A_219 = arith.constant 1 : i32
        %shift_right_arithmetic3A_220 = vector.broadcast %shift_right_arithmetic3A_219 : i32 to vector<16xi32>
        %shift_right_arithmetic3A_221 = arith.shrsi %bitcast_convert_type3A_218, %shift_right_arithmetic3A_220 : vector<16xi32>
        %sub3A_222 = arith.constant 1597463007 : i32
        %sub3A_223 = vector.broadcast %sub3A_222 : i32 to vector<16xi32>
        %sub3A_224 = arith.subi %sub3A_223, %shift_right_arithmetic3A_221 : vector<16xi32>
        %bitcast_convert_type3A_225 = tpu.bitcast %sub3A_224 : vector<16xi32> -> vector<16xf32>
        %mul3A_226 = arith.constant 5.000000e-01 : f32
        %mul3A_227 = vector.broadcast %mul3A_226 : f32 to vector<16xf32>
        %mul3A_228 = arith.mulf %mul3A_227, %get3A_96 : vector<16xf32>
        %mul3A_229 = arith.mulf %mul3A_228, %bitcast_convert_type3A_225 : vector<16xf32>
        %mul3A_230 = arith.mulf %mul3A_229, %bitcast_convert_type3A_225 : vector<16xf32>
        %sub3A_231 = arith.constant 1.500000e+00 : f32
        %sub3A_232 = vector.broadcast %sub3A_231 : f32 to vector<16xf32>
        %sub3A_233 = arith.subf %sub3A_232, %mul3A_230 : vector<16xf32>
        %mul3A_234 = arith.mulf %bitcast_convert_type3A_225, %sub3A_233 : vector<16xf32>
        %mul3A_235 = arith.mulf %mul3A_228, %mul3A_234 : vector<16xf32>
        %mul3A_236 = arith.mulf %mul3A_235, %mul3A_234 : vector<16xf32>
        %sub3A_237 = arith.constant 1.500000e+00 : f32
        %sub3A_238 = vector.broadcast %sub3A_237 : f32 to vector<16xf32>
        %sub3A_239 = arith.subf %sub3A_238, %mul3A_236 : vector<16xf32>
        %mul3A_240 = arith.mulf %mul3A_234, %sub3A_239 : vector<16xf32>
        %mul3A_241 = arith.mulf %mul3A_228, %mul3A_240 : vector<16xf32>
        %mul3A_242 = arith.mulf %mul3A_241, %mul3A_240 : vector<16xf32>
        %sub3A_243 = arith.constant 1.500000e+00 : f32
        %sub3A_244 = vector.broadcast %sub3A_243 : f32 to vector<16xf32>
        %sub3A_245 = arith.subf %sub3A_244, %mul3A_242 : vector<16xf32>
        %mul3A_246 = arith.mulf %mul3A_240, %sub3A_245 : vector<16xf32>
        %mul3A_247 = arith.mulf %get3A_96, %mul3A_246 : vector<16xf32>
        tpu.vector_store_idx %arg16[%add3A_213], %mul3A_247 masked %and3A_212 : memref<4096xf32, #tpu.memory_space<vmem>>[vector<16xi32>], vector<16xf32>, vector<16xi1>
        %le3A_248 = arith.constant 1.000000e+02 : f32
        %le3A_249 = vector.broadcast %le3A_248 : f32 to vector<16xf32>
        %le3A_250 = arith.cmpf ole, %get3A_101, %le3A_249 : vector<16xf32>
        %lt3A_251 = arith.constant 32 : i32
        %lt3A_252 = vector.broadcast %lt3A_251 : i32 to vector<16xi32>
        %lt3A_253 = arith.cmpi slt, %add3A_155, %lt3A_252 : vector<16xi32>
        %and3A_254 = arith.andi %le3A_250, %lt3A_253 : vector<16xi1>
        %add3A_255 = arith.addi %mul3A_69, %add3A_155 : vector<16xi32>
        %add3A_256 = arith.addi %squeeze3A, %mul3A_88 : i32
        %add3A_257 = arith.constant 2 : i32
        %add3A_258 = arith.addi %add3A_256, %add3A_257 : i32
        %broadcast_in_dim3A_259 = vector.broadcast %add3A_258 : i32 to vector<16xi32>
        tpu.vector_store_idx %arg15[%add3A_255], %broadcast_in_dim3A_259 masked %and3A_254 : memref<4096xi32, #tpu.memory_space<vmem>>[vector<16xi32>], vector<16xi32>, vector<16xi1>
        %bitcast_convert_type3A_260 = tpu.bitcast %get3A_101 : vector<16xf32> -> vector<16xi32>
        %shift_right_arithmetic3A_261 = arith.constant 1 : i32
        %shift_right_arithmetic3A_262 = vector.broadcast %shift_right_arithmetic3A_261 : i32 to vector<16xi32>
        %shift_right_arithmetic3A_263 = arith.shrsi %bitcast_convert_type3A_260, %shift_right_arithmetic3A_262 : vector<16xi32>
        %sub3A_264 = arith.constant 1597463007 : i32
        %sub3A_265 = vector.broadcast %sub3A_264 : i32 to vector<16xi32>
        %sub3A_266 = arith.subi %sub3A_265, %shift_right_arithmetic3A_263 : vector<16xi32>
        %bitcast_convert_type3A_267 = tpu.bitcast %sub3A_266 : vector<16xi32> -> vector<16xf32>
        %mul3A_268 = arith.constant 5.000000e-01 : f32
        %mul3A_269 = vector.broadcast %mul3A_268 : f32 to vector<16xf32>
        %mul3A_270 = arith.mulf %mul3A_269, %get3A_101 : vector<16xf32>
        %mul3A_271 = arith.mulf %mul3A_270, %bitcast_convert_type3A_267 : vector<16xf32>
        %mul3A_272 = arith.mulf %mul3A_271, %bitcast_convert_type3A_267 : vector<16xf32>
        %sub3A_273 = arith.constant 1.500000e+00 : f32
        %sub3A_274 = vector.broadcast %sub3A_273 : f32 to vector<16xf32>
        %sub3A_275 = arith.subf %sub3A_274, %mul3A_272 : vector<16xf32>
        %mul3A_276 = arith.mulf %bitcast_convert_type3A_267, %sub3A_275 : vector<16xf32>
        %mul3A_277 = arith.mulf %mul3A_270, %mul3A_276 : vector<16xf32>
        %mul3A_278 = arith.mulf %mul3A_277, %mul3A_276 : vector<16xf32>
        %sub3A_279 = arith.constant 1.500000e+00 : f32
        %sub3A_280 = vector.broadcast %sub3A_279 : f32 to vector<16xf32>
        %sub3A_281 = arith.subf %sub3A_280, %mul3A_278 : vector<16xf32>
        %mul3A_282 = arith.mulf %mul3A_276, %sub3A_281 : vector<16xf32>
        %mul3A_283 = arith.mulf %mul3A_270, %mul3A_282 : vector<16xf32>
        %mul3A_284 = arith.mulf %mul3A_283, %mul3A_282 : vector<16xf32>
        %sub3A_285 = arith.constant 1.500000e+00 : f32
        %sub3A_286 = vector.broadcast %sub3A_285 : f32 to vector<16xf32>
        %sub3A_287 = arith.subf %sub3A_286, %mul3A_284 : vector<16xf32>
        %mul3A_288 = arith.mulf %mul3A_282, %sub3A_287 : vector<16xf32>
        %mul3A_289 = arith.mulf %get3A_101, %mul3A_288 : vector<16xf32>
        tpu.vector_store_idx %arg16[%add3A_255], %mul3A_289 masked %and3A_254 : memref<4096xf32, #tpu.memory_space<vmem>>[vector<16xi32>], vector<16xf32>, vector<16xi1>
        %le3A_290 = arith.constant 1.000000e+02 : f32
        %le3A_291 = vector.broadcast %le3A_290 : f32 to vector<16xf32>
        %le3A_292 = arith.cmpf ole, %get3A_106, %le3A_291 : vector<16xf32>
        %lt3A_293 = arith.constant 32 : i32
        %lt3A_294 = vector.broadcast %lt3A_293 : i32 to vector<16xi32>
        %lt3A_295 = arith.cmpi slt, %add3A_164, %lt3A_294 : vector<16xi32>
        %and3A_296 = arith.andi %le3A_292, %lt3A_295 : vector<16xi1>
        %add3A_297 = arith.addi %mul3A_69, %add3A_164 : vector<16xi32>
        %add3A_298 = arith.addi %squeeze3A, %mul3A_88 : i32
        %add3A_299 = arith.constant 3 : i32
        %add3A_300 = arith.addi %add3A_298, %add3A_299 : i32
        %broadcast_in_dim3A_301 = vector.broadcast %add3A_300 : i32 to vector<16xi32>
        tpu.vector_store_idx %arg15[%add3A_297], %broadcast_in_dim3A_301 masked %and3A_296 : memref<4096xi32, #tpu.memory_space<vmem>>[vector<16xi32>], vector<16xi32>, vector<16xi1>
        %bitcast_convert_type3A_302 = tpu.bitcast %get3A_106 : vector<16xf32> -> vector<16xi32>
        %shift_right_arithmetic3A_303 = arith.constant 1 : i32
        %shift_right_arithmetic3A_304 = vector.broadcast %shift_right_arithmetic3A_303 : i32 to vector<16xi32>
        %shift_right_arithmetic3A_305 = arith.shrsi %bitcast_convert_type3A_302, %shift_right_arithmetic3A_304 : vector<16xi32>
        %sub3A_306 = arith.constant 1597463007 : i32
        %sub3A_307 = vector.broadcast %sub3A_306 : i32 to vector<16xi32>
        %sub3A_308 = arith.subi %sub3A_307, %shift_right_arithmetic3A_305 : vector<16xi32>
        %bitcast_convert_type3A_309 = tpu.bitcast %sub3A_308 : vector<16xi32> -> vector<16xf32>
        %mul3A_310 = arith.constant 5.000000e-01 : f32
        %mul3A_311 = vector.broadcast %mul3A_310 : f32 to vector<16xf32>
        %mul3A_312 = arith.mulf %mul3A_311, %get3A_106 : vector<16xf32>
        %mul3A_313 = arith.mulf %mul3A_312, %bitcast_convert_type3A_309 : vector<16xf32>
        %mul3A_314 = arith.mulf %mul3A_313, %bitcast_convert_type3A_309 : vector<16xf32>
        %sub3A_315 = arith.constant 1.500000e+00 : f32
        %sub3A_316 = vector.broadcast %sub3A_315 : f32 to vector<16xf32>
        %sub3A_317 = arith.subf %sub3A_316, %mul3A_314 : vector<16xf32>
        %mul3A_318 = arith.mulf %bitcast_convert_type3A_309, %sub3A_317 : vector<16xf32>
        %mul3A_319 = arith.mulf %mul3A_312, %mul3A_318 : vector<16xf32>
        %mul3A_320 = arith.mulf %mul3A_319, %mul3A_318 : vector<16xf32>
        %sub3A_321 = arith.constant 1.500000e+00 : f32
        %sub3A_322 = vector.broadcast %sub3A_321 : f32 to vector<16xf32>
        %sub3A_323 = arith.subf %sub3A_322, %mul3A_320 : vector<16xf32>
        %mul3A_324 = arith.mulf %mul3A_318, %sub3A_323 : vector<16xf32>
        %mul3A_325 = arith.mulf %mul3A_312, %mul3A_324 : vector<16xf32>
        %mul3A_326 = arith.mulf %mul3A_325, %mul3A_324 : vector<16xf32>
        %sub3A_327 = arith.constant 1.500000e+00 : f32
        %sub3A_328 = vector.broadcast %sub3A_327 : f32 to vector<16xf32>
        %sub3A_329 = arith.subf %sub3A_328, %mul3A_326 : vector<16xf32>
        %mul3A_330 = arith.mulf %mul3A_324, %sub3A_329 : vector<16xf32>
        %mul3A_331 = arith.mulf %get3A_106, %mul3A_330 : vector<16xf32>
        tpu.vector_store_idx %arg16[%add3A_297], %mul3A_331 masked %and3A_296 : memref<4096xf32, #tpu.memory_space<vmem>>[vector<16xi32>], vector<16xf32>, vector<16xi1>
        %while3A_332 = arith.constant 0 : i32
        scf.yield %while3A_332 : i32
      }
      %while3A_82 = arith.constant 1 : i32
      %while3A_83 = scf.for %while3A_85 = %while3A_79 to %while3A_75 step %while3A_82 iter_args(%while3A_86 = %while3A_81) -> (i32)  : i32 {
        %mul3A_87 = arith.constant 4 : i32
        %mul3A_88 = arith.muli %while3A_85, %mul3A_87 : i32
        %get3A_89 = arith.index_cast %mul3A_88 : i32 to index
        %get3A_90 = arith.constant 0 : index
        %get3A_91 = tpu.vector_load %arg14[%get3A_89, %get3A_90] {strides = array<i32>} : memref<4096x16xf32, #tpu.memory_space<vmem>>, vector<16xf32>,
        %add3A_92 = arith.constant 1 : i32
        %add3A_93 = arith.addi %mul3A_88, %add3A_92 : i32
        %get3A_94 = arith.index_cast %add3A_93 : i32 to index
        %get3A_95 = arith.constant 0 : index
        %get3A_96 = tpu.vector_load %arg14[%get3A_94, %get3A_95] {strides = array<i32>} : memref<4096x16xf32, #tpu.memory_space<vmem>>, vector<16xf32>,
        %add3A_97 = arith.constant 2 : i32
        %add3A_98 = arith.addi %mul3A_88, %add3A_97 : i32
        %get3A_99 = arith.index_cast %add3A_98 : i32 to index
        %get3A_100 = arith.constant 0 : index
        %get3A_101 = tpu.vector_load %arg14[%get3A_99, %get3A_100] {strides = array<i32>} : memref<4096x16xf32, #tpu.memory_space<vmem>>, vector<16xf32>,
        %add3A_102 = arith.constant 3 : i32
        %add3A_103 = arith.addi %mul3A_88, %add3A_102 : i32
        %get3A_104 = arith.index_cast %add3A_103 : i32 to index
        %get3A_105 = arith.constant 0 : index
        %get3A_106 = tpu.vector_load %arg14[%get3A_104, %get3A_105] {strides = array<i32>} : memref<4096x16xf32, #tpu.memory_space<vmem>>, vector<16xf32>,
        %while3A_107 = arith.constant 0 : i32
        %while3A_108 = arith.subi %while3A_85, %while3A_107 : i32
        %while3A_109 = arith.addi %while3A_107, %while3A_108 : i32
        %while3A_110 = arith.constant 1 : i32
        %while3A_111 = arith.divsi %while3A_108, %while3A_110 : i32
        %while3A_112 = arith.muli %while3A_111, %while3A_110 : i32
        %while3A_113 = arith.addi %while3A_107, %while3A_112 : i32
        %while3A_114 = arith.constant 1 : i32
        %while3A_115:4 = scf.for %while3A_333 = %while3A_107 to %while3A_113 step %while3A_114 iter_args(%while3A_334 = %broadcast_in_dim3A_70, %while3A_335 = %broadcast_in_dim3A_70, %while3A_336 = %broadcast_in_dim3A_70, %while3A_337 = %broadcast_in_dim3A_70) -> (vector<16xi32>, vector<16xi32>, vector<16xi32>, vector<16xi32>)  : i32 {
          %mul3A_338 = arith.constant 4 : i32
          %mul3A_339 = arith.muli %while3A_333, %mul3A_338 : i32
          %get3A_340 = arith.index_cast %mul3A_339 : i32 to index
          %get3A_341 = arith.constant 0 : index
          %get3A_342 = tpu.vector_load %arg14[%get3A_340, %get3A_341] {strides = array<i32>} : memref<4096x16xf32, #tpu.memory_space<vmem>>, vector<16xf32>,
          %add3A_343 = arith.constant 1 : i32
          %add3A_344 = arith.addi %mul3A_339, %add3A_343 : i32
          %get3A_345 = arith.index_cast %add3A_344 : i32 to index
          %get3A_346 = arith.constant 0 : index
          %get3A_347 = tpu.vector_load %arg14[%get3A_345, %get3A_346] {strides = array<i32>} : memref<4096x16xf32, #tpu.memory_space<vmem>>, vector<16xf32>,
          %add3A_348 = arith.constant 2 : i32
          %add3A_349 = arith.addi %mul3A_339, %add3A_348 : i32
          %get3A_350 = arith.index_cast %add3A_349 : i32 to index
          %get3A_351 = arith.constant 0 : index
          %get3A_352 = tpu.vector_load %arg14[%get3A_350, %get3A_351] {strides = array<i32>} : memref<4096x16xf32, #tpu.memory_space<vmem>>, vector<16xf32>,
          %add3A_353 = arith.constant 3 : i32
          %add3A_354 = arith.addi %mul3A_339, %add3A_353 : i32
          %get3A_355 = arith.index_cast %add3A_354 : i32 to index
          %get3A_356 = arith.constant 0 : index
          %get3A_357 = tpu.vector_load %arg14[%get3A_355, %get3A_356] {strides = array<i32>} : memref<4096x16xf32, #tpu.memory_space<vmem>>, vector<16xf32>,
          %le3A_358 = arith.cmpf ole, %get3A_342, %get3A_91 : vector<16xf32>
          %convert_element_type3A_359 = arith.extui %le3A_358 : vector<16xi1> to vector<16xi32>
          %add3A_360 = arith.addi %while3A_334, %convert_element_type3A_359 : vector<16xi32>
          %le3A_361 = arith.cmpf ole, %get3A_347, %get3A_91 : vector<16xf32>
          %convert_element_type3A_362 = arith.extui %le3A_361 : vector<16xi1> to vector<16xi32>
          %add3A_363 = arith.addi %add3A_360, %convert_element_type3A_362 : vector<16xi32>
          %le3A_364 = arith.cmpf ole, %get3A_352, %get3A_91 : vector<16xf32>
          %convert_element_type3A_365 = arith.extui %le3A_364 : vector<16xi1> to vector<16xi32>
          %add3A_366 = arith.addi %add3A_363, %convert_element_type3A_365 : vector<16xi32>
          %le3A_367 = arith.cmpf ole, %get3A_357, %get3A_91 : vector<16xf32>
          %convert_element_type3A_368 = arith.extui %le3A_367 : vector<16xi1> to vector<16xi32>
          %add3A_369 = arith.addi %add3A_366, %convert_element_type3A_368 : vector<16xi32>
          %le3A_370 = arith.cmpf ole, %get3A_342, %get3A_96 : vector<16xf32>
          %convert_element_type3A_371 = arith.extui %le3A_370 : vector<16xi1> to vector<16xi32>
          %add3A_372 = arith.addi %while3A_335, %convert_element_type3A_371 : vector<16xi32>
          %le3A_373 = arith.cmpf ole, %get3A_347, %get3A_96 : vector<16xf32>
          %convert_element_type3A_374 = arith.extui %le3A_373 : vector<16xi1> to vector<16xi32>
          %add3A_375 = arith.addi %add3A_372, %convert_element_type3A_374 : vector<16xi32>
          %le3A_376 = arith.cmpf ole, %get3A_352, %get3A_96 : vector<16xf32>
          %convert_element_type3A_377 = arith.extui %le3A_376 : vector<16xi1> to vector<16xi32>
          %add3A_378 = arith.addi %add3A_375, %convert_element_type3A_377 : vector<16xi32>
          %le3A_379 = arith.cmpf ole, %get3A_357, %get3A_96 : vector<16xf32>
          %convert_element_type3A_380 = arith.extui %le3A_379 : vector<16xi1> to vector<16xi32>
          %add3A_381 = arith.addi %add3A_378, %convert_element_type3A_380 : vector<16xi32>
          %le3A_382 = arith.cmpf ole, %get3A_342, %get3A_101 : vector<16xf32>
          %convert_element_type3A_383 = arith.extui %le3A_382 : vector<16xi1> to vector<16xi32>
          %add3A_384 = arith.addi %while3A_336, %convert_element_type3A_383 : vector<16xi32>
          %le3A_385 = arith.cmpf ole, %get3A_347, %get3A_101 : vector<16xf32>
          %convert_element_type3A_386 = arith.extui %le3A_385 : vector<16xi1> to vector<16xi32>
          %add3A_387 = arith.addi %add3A_384, %convert_element_type3A_386 : vector<16xi32>
          %le3A_388 = arith.cmpf ole, %get3A_352, %get3A_101 : vector<16xf32>
          %convert_element_type3A_389 = arith.extui %le3A_388 : vector<16xi1> to vector<16xi32>
          %add3A_390 = arith.addi %add3A_387, %convert_element_type3A_389 : vector<16xi32>
          %le3A_391 = arith.cmpf ole, %get3A_357, %get3A_101 : vector<16xf32>
          %convert_element_type3A_392 = arith.extui %le3A_391 : vector<16xi1> to vector<16xi32>
          %add3A_393 = arith.addi %add3A_390, %convert_element_type3A_392 : vector<16xi32>
          %le3A_394 = arith.cmpf ole, %get3A_342, %get3A_106 : vector<16xf32>
          %convert_element_type3A_395 = arith.extui %le3A_394 : vector<16xi1> to vector<16xi32>
          %add3A_396 = arith.addi %while3A_337, %convert_element_type3A_395 : vector<16xi32>
          %le3A_397 = arith.cmpf ole, %get3A_347, %get3A_106 : vector<16xf32>
          %convert_element_type3A_398 = arith.extui %le3A_397 : vector<16xi1> to vector<16xi32>
          %add3A_399 = arith.addi %add3A_396, %convert_element_type3A_398 : vector<16xi32>
          %le3A_400 = arith.cmpf ole, %get3A_352, %get3A_106 : vector<16xf32>
          %convert_element_type3A_401 = arith.extui %le3A_400 : vector<16xi1> to vector<16xi32>
          %add3A_402 = arith.addi %add3A_399, %convert_element_type3A_401 : vector<16xi32>
          %le3A_403 = arith.cmpf ole, %get3A_357, %get3A_106 : vector<16xf32>
          %convert_element_type3A_404 = arith.extui %le3A_403 : vector<16xi1> to vector<16xi32>
          %add3A_405 = arith.addi %add3A_402, %convert_element_type3A_404 : vector<16xi32>
          scf.yield %add3A_369, %add3A_381, %add3A_393, %add3A_405 : vector<16xi32>, vector<16xi32>, vector<16xi32>, vector<16xi32>
        }
        %while3A_116 = arith.constant 1 : i32
        %while3A_117:4 = scf.for %while3A_333 = %while3A_113 to %while3A_109 step %while3A_116 iter_args(%while3A_334 = %while3A_115#0, %while3A_335 = %while3A_115#1, %while3A_336 = %while3A_115#2, %while3A_337 = %while3A_115#3) -> (vector<16xi32>, vector<16xi32>, vector<16xi32>, vector<16xi32>)  : i32 {
          %mul3A_338 = arith.constant 4 : i32
          %mul3A_339 = arith.muli %while3A_333, %mul3A_338 : i32
          %get3A_340 = arith.index_cast %mul3A_339 : i32 to index
          %get3A_341 = arith.constant 0 : index
          %get3A_342 = tpu.vector_load %arg14[%get3A_340, %get3A_341] {strides = array<i32>} : memref<4096x16xf32, #tpu.memory_space<vmem>>, vector<16xf32>,
          %add3A_343 = arith.constant 1 : i32
          %add3A_344 = arith.addi %mul3A_339, %add3A_343 : i32
          %get3A_345 = arith.index_cast %add3A_344 : i32 to index
          %get3A_346 = arith.constant 0 : index
          %get3A_347 = tpu.vector_load %arg14[%get3A_345, %get3A_346] {strides = array<i32>} : memref<4096x16xf32, #tpu.memory_space<vmem>>, vector<16xf32>,
          %add3A_348 = arith.constant 2 : i32
          %add3A_349 = arith.addi %mul3A_339, %add3A_348 : i32
          %get3A_350 = arith.index_cast %add3A_349 : i32 to index
          %get3A_351 = arith.constant 0 : index
          %get3A_352 = tpu.vector_load %arg14[%get3A_350, %get3A_351] {strides = array<i32>} : memref<4096x16xf32, #tpu.memory_space<vmem>>, vector<16xf32>,
          %add3A_353 = arith.constant 3 : i32
          %add3A_354 = arith.addi %mul3A_339, %add3A_353 : i32
          %get3A_355 = arith.index_cast %add3A_354 : i32 to index
          %get3A_356 = arith.constant 0 : index
          %get3A_357 = tpu.vector_load %arg14[%get3A_355, %get3A_356] {strides = array<i32>} : memref<4096x16xf32, #tpu.memory_space<vmem>>, vector<16xf32>,
          %le3A_358 = arith.cmpf ole, %get3A_342, %get3A_91 : vector<16xf32>
          %convert_element_type3A_359 = arith.extui %le3A_358 : vector<16xi1> to vector<16xi32>
          %add3A_360 = arith.addi %while3A_334, %convert_element_type3A_359 : vector<16xi32>
          %le3A_361 = arith.cmpf ole, %get3A_347, %get3A_91 : vector<16xf32>
          %convert_element_type3A_362 = arith.extui %le3A_361 : vector<16xi1> to vector<16xi32>
          %add3A_363 = arith.addi %add3A_360, %convert_element_type3A_362 : vector<16xi32>
          %le3A_364 = arith.cmpf ole, %get3A_352, %get3A_91 : vector<16xf32>
          %convert_element_type3A_365 = arith.extui %le3A_364 : vector<16xi1> to vector<16xi32>
          %add3A_366 = arith.addi %add3A_363, %convert_element_type3A_365 : vector<16xi32>
          %le3A_367 = arith.cmpf ole, %get3A_357, %get3A_91 : vector<16xf32>
          %convert_element_type3A_368 = arith.extui %le3A_367 : vector<16xi1> to vector<16xi32>
          %add3A_369 = arith.addi %add3A_366, %convert_element_type3A_368 : vector<16xi32>
          %le3A_370 = arith.cmpf ole, %get3A_342, %get3A_96 : vector<16xf32>
          %convert_element_type3A_371 = arith.extui %le3A_370 : vector<16xi1> to vector<16xi32>
          %add3A_372 = arith.addi %while3A_335, %convert_element_type3A_371 : vector<16xi32>
          %le3A_373 = arith.cmpf ole, %get3A_347, %get3A_96 : vector<16xf32>
          %convert_element_type3A_374 = arith.extui %le3A_373 : vector<16xi1> to vector<16xi32>
          %add3A_375 = arith.addi %add3A_372, %convert_element_type3A_374 : vector<16xi32>
          %le3A_376 = arith.cmpf ole, %get3A_352, %get3A_96 : vector<16xf32>
          %convert_element_type3A_377 = arith.extui %le3A_376 : vector<16xi1> to vector<16xi32>
          %add3A_378 = arith.addi %add3A_375, %convert_element_type3A_377 : vector<16xi32>
          %le3A_379 = arith.cmpf ole, %get3A_357, %get3A_96 : vector<16xf32>
          %convert_element_type3A_380 = arith.extui %le3A_379 : vector<16xi1> to vector<16xi32>
          %add3A_381 = arith.addi %add3A_378, %convert_element_type3A_380 : vector<16xi32>
          %le3A_382 = arith.cmpf ole, %get3A_342, %get3A_101 : vector<16xf32>
          %convert_element_type3A_383 = arith.extui %le3A_382 : vector<16xi1> to vector<16xi32>
          %add3A_384 = arith.addi %while3A_336, %convert_element_type3A_383 : vector<16xi32>
          %le3A_385 = arith.cmpf ole, %get3A_347, %get3A_101 : vector<16xf32>
          %convert_element_type3A_386 = arith.extui %le3A_385 : vector<16xi1> to vector<16xi32>
          %add3A_387 = arith.addi %add3A_384, %convert_element_type3A_386 : vector<16xi32>
          %le3A_388 = arith.cmpf ole, %get3A_352, %get3A_101 : vector<16xf32>
          %convert_element_type3A_389 = arith.extui %le3A_388 : vector<16xi1> to vector<16xi32>
          %add3A_390 = arith.addi %add3A_387, %convert_element_type3A_389 : vector<16xi32>
          %le3A_391 = arith.cmpf ole, %get3A_357, %get3A_101 : vector<16xf32>
          %convert_element_type3A_392 = arith.extui %le3A_391 : vector<16xi1> to vector<16xi32>
          %add3A_393 = arith.addi %add3A_390, %convert_element_type3A_392 : vector<16xi32>
          %le3A_394 = arith.cmpf ole, %get3A_342, %get3A_106 : vector<16xf32>
          %convert_element_type3A_395 = arith.extui %le3A_394 : vector<16xi1> to vector<16xi32>
          %add3A_396 = arith.addi %while3A_337, %convert_element_type3A_395 : vector<16xi32>
          %le3A_397 = arith.cmpf ole, %get3A_347, %get3A_106 : vector<16xf32>
          %convert_element_type3A_398 = arith.extui %le3A_397 : vector<16xi1> to vector<16xi32>
          %add3A_399 = arith.addi %add3A_396, %convert_element_type3A_398 : vector<16xi32>
          %le3A_400 = arith.cmpf ole, %get3A_352, %get3A_106 : vector<16xf32>
          %convert_element_type3A_401 = arith.extui %le3A_400 : vector<16xi1> to vector<16xi32>
          %add3A_402 = arith.addi %add3A_399, %convert_element_type3A_401 : vector<16xi32>
          %le3A_403 = arith.cmpf ole, %get3A_357, %get3A_106 : vector<16xf32>
          %convert_element_type3A_404 = arith.extui %le3A_403 : vector<16xi1> to vector<16xi32>
          %add3A_405 = arith.addi %add3A_402, %convert_element_type3A_404 : vector<16xi32>
          scf.yield %add3A_369, %add3A_381, %add3A_393, %add3A_405 : vector<16xi32>, vector<16xi32>, vector<16xi32>, vector<16xi32>
        }
        %add3A_118 = arith.constant 1 : i32
        %add3A_119 = arith.addi %while3A_85, %add3A_118 : i32
        %shift_right_arithmetic3A_120 = arith.constant 2 : i32
        %shift_right_arithmetic3A_121 = arith.shrsi %and3A_51, %shift_right_arithmetic3A_120 : i32
        %while3A_122 = arith.subi %shift_right_arithmetic3A_121, %add3A_119 : i32
        %while3A_123 = arith.addi %add3A_119, %while3A_122 : i32
        %while3A_124 = arith.constant 1 : i32
        %while3A_125 = arith.divsi %while3A_122, %while3A_124 : i32
        %while3A_126 = arith.muli %while3A_125, %while3A_124 : i32
        %while3A_127 = arith.addi %add3A_119, %while3A_126 : i32
        %while3A_128 = arith.constant 1 : i32
        %while3A_129:4 = scf.for %while3A_333 = %add3A_119 to %while3A_127 step %while3A_128 iter_args(%while3A_334 = %while3A_117#0, %while3A_335 = %while3A_117#1, %while3A_336 = %while3A_117#2, %while3A_337 = %while3A_117#3) -> (vector<16xi32>, vector<16xi32>, vector<16xi32>, vector<16xi32>)  : i32 {
          %mul3A_338 = arith.constant 4 : i32
          %mul3A_339 = arith.muli %while3A_333, %mul3A_338 : i32
          %get3A_340 = arith.index_cast %mul3A_339 : i32 to index
          %get3A_341 = arith.constant 0 : index
          %get3A_342 = tpu.vector_load %arg14[%get3A_340, %get3A_341] {strides = array<i32>} : memref<4096x16xf32, #tpu.memory_space<vmem>>, vector<16xf32>,
          %add3A_343 = arith.constant 1 : i32
          %add3A_344 = arith.addi %mul3A_339, %add3A_343 : i32
          %get3A_345 = arith.index_cast %add3A_344 : i32 to index
          %get3A_346 = arith.constant 0 : index
          %get3A_347 = tpu.vector_load %arg14[%get3A_345, %get3A_346] {strides = array<i32>} : memref<4096x16xf32, #tpu.memory_space<vmem>>, vector<16xf32>,
          %add3A_348 = arith.constant 2 : i32
          %add3A_349 = arith.addi %mul3A_339, %add3A_348 : i32
          %get3A_350 = arith.index_cast %add3A_349 : i32 to index
          %get3A_351 = arith.constant 0 : index
          %get3A_352 = tpu.vector_load %arg14[%get3A_350, %get3A_351] {strides = array<i32>} : memref<4096x16xf32, #tpu.memory_space<vmem>>, vector<16xf32>,
          %add3A_353 = arith.constant 3 : i32
          %add3A_354 = arith.addi %mul3A_339, %add3A_353 : i32
          %get3A_355 = arith.index_cast %add3A_354 : i32 to index
          %get3A_356 = arith.constant 0 : index
          %get3A_357 = tpu.vector_load %arg14[%get3A_355, %get3A_356] {strides = array<i32>} : memref<4096x16xf32, #tpu.memory_space<vmem>>, vector<16xf32>,
          %lt3A_358 = arith.cmpf olt, %get3A_342, %get3A_91 : vector<16xf32>
          %convert_element_type3A_359 = arith.extui %lt3A_358 : vector<16xi1> to vector<16xi32>
          %add3A_360 = arith.addi %while3A_334, %convert_element_type3A_359 : vector<16xi32>
          %lt3A_361 = arith.cmpf olt, %get3A_347, %get3A_91 : vector<16xf32>
          %convert_element_type3A_362 = arith.extui %lt3A_361 : vector<16xi1> to vector<16xi32>
          %add3A_363 = arith.addi %add3A_360, %convert_element_type3A_362 : vector<16xi32>
          %lt3A_364 = arith.cmpf olt, %get3A_352, %get3A_91 : vector<16xf32>
          %convert_element_type3A_365 = arith.extui %lt3A_364 : vector<16xi1> to vector<16xi32>
          %add3A_366 = arith.addi %add3A_363, %convert_element_type3A_365 : vector<16xi32>
          %lt3A_367 = arith.cmpf olt, %get3A_357, %get3A_91 : vector<16xf32>
          %convert_element_type3A_368 = arith.extui %lt3A_367 : vector<16xi1> to vector<16xi32>
          %add3A_369 = arith.addi %add3A_366, %convert_element_type3A_368 : vector<16xi32>
          %lt3A_370 = arith.cmpf olt, %get3A_342, %get3A_96 : vector<16xf32>
          %convert_element_type3A_371 = arith.extui %lt3A_370 : vector<16xi1> to vector<16xi32>
          %add3A_372 = arith.addi %while3A_335, %convert_element_type3A_371 : vector<16xi32>
          %lt3A_373 = arith.cmpf olt, %get3A_347, %get3A_96 : vector<16xf32>
          %convert_element_type3A_374 = arith.extui %lt3A_373 : vector<16xi1> to vector<16xi32>
          %add3A_375 = arith.addi %add3A_372, %convert_element_type3A_374 : vector<16xi32>
          %lt3A_376 = arith.cmpf olt, %get3A_352, %get3A_96 : vector<16xf32>
          %convert_element_type3A_377 = arith.extui %lt3A_376 : vector<16xi1> to vector<16xi32>
          %add3A_378 = arith.addi %add3A_375, %convert_element_type3A_377 : vector<16xi32>
          %lt3A_379 = arith.cmpf olt, %get3A_357, %get3A_96 : vector<16xf32>
          %convert_element_type3A_380 = arith.extui %lt3A_379 : vector<16xi1> to vector<16xi32>
          %add3A_381 = arith.addi %add3A_378, %convert_element_type3A_380 : vector<16xi32>
          %lt3A_382 = arith.cmpf olt, %get3A_342, %get3A_101 : vector<16xf32>
          %convert_element_type3A_383 = arith.extui %lt3A_382 : vector<16xi1> to vector<16xi32>
          %add3A_384 = arith.addi %while3A_336, %convert_element_type3A_383 : vector<16xi32>
          %lt3A_385 = arith.cmpf olt, %get3A_347, %get3A_101 : vector<16xf32>
          %convert_element_type3A_386 = arith.extui %lt3A_385 : vector<16xi1> to vector<16xi32>
          %add3A_387 = arith.addi %add3A_384, %convert_element_type3A_386 : vector<16xi32>
          %lt3A_388 = arith.cmpf olt, %get3A_352, %get3A_101 : vector<16xf32>
          %convert_element_type3A_389 = arith.extui %lt3A_388 : vector<16xi1> to vector<16xi32>
          %add3A_390 = arith.addi %add3A_387, %convert_element_type3A_389 : vector<16xi32>
          %lt3A_391 = arith.cmpf olt, %get3A_357, %get3A_101 : vector<16xf32>
          %convert_element_type3A_392 = arith.extui %lt3A_391 : vector<16xi1> to vector<16xi32>
          %add3A_393 = arith.addi %add3A_390, %convert_element_type3A_392 : vector<16xi32>
          %lt3A_394 = arith.cmpf olt, %get3A_342, %get3A_106 : vector<16xf32>
          %convert_element_type3A_395 = arith.extui %lt3A_394 : vector<16xi1> to vector<16xi32>
          %add3A_396 = arith.addi %while3A_337, %convert_element_type3A_395 : vector<16xi32>
          %lt3A_397 = arith.cmpf olt, %get3A_347, %get3A_106 : vector<16xf32>
          %convert_element_type3A_398 = arith.extui %lt3A_397 : vector<16xi1> to vector<16xi32>
          %add3A_399 = arith.addi %add3A_396, %convert_element_type3A_398 : vector<16xi32>
          %lt3A_400 = arith.cmpf olt, %get3A_352, %get3A_106 : vector<16xf32>
          %convert_element_type3A_401 = arith.extui %lt3A_400 : vector<16xi1> to vector<16xi32>
          %add3A_402 = arith.addi %add3A_399, %convert_element_type3A_401 : vector<16xi32>
          %lt3A_403 = arith.cmpf olt, %get3A_357, %get3A_106 : vector<16xf32>
          %convert_element_type3A_404 = arith.extui %lt3A_403 : vector<16xi1> to vector<16xi32>
          %add3A_405 = arith.addi %add3A_402, %convert_element_type3A_404 : vector<16xi32>
          scf.yield %add3A_369, %add3A_381, %add3A_393, %add3A_405 : vector<16xi32>, vector<16xi32>, vector<16xi32>, vector<16xi32>
        }
        %while3A_130 = arith.constant 1 : i32
        %while3A_131:4 = scf.for %while3A_333 = %while3A_127 to %while3A_123 step %while3A_130 iter_args(%while3A_334 = %while3A_129#0, %while3A_335 = %while3A_129#1, %while3A_336 = %while3A_129#2, %while3A_337 = %while3A_129#3) -> (vector<16xi32>, vector<16xi32>, vector<16xi32>, vector<16xi32>)  : i32 {
          %mul3A_338 = arith.constant 4 : i32
          %mul3A_339 = arith.muli %while3A_333, %mul3A_338 : i32
          %get3A_340 = arith.index_cast %mul3A_339 : i32 to index
          %get3A_341 = arith.constant 0 : index
          %get3A_342 = tpu.vector_load %arg14[%get3A_340, %get3A_341] {strides = array<i32>} : memref<4096x16xf32, #tpu.memory_space<vmem>>, vector<16xf32>,
          %add3A_343 = arith.constant 1 : i32
          %add3A_344 = arith.addi %mul3A_339, %add3A_343 : i32
          %get3A_345 = arith.index_cast %add3A_344 : i32 to index
          %get3A_346 = arith.constant 0 : index
          %get3A_347 = tpu.vector_load %arg14[%get3A_345, %get3A_346] {strides = array<i32>} : memref<4096x16xf32, #tpu.memory_space<vmem>>, vector<16xf32>,
          %add3A_348 = arith.constant 2 : i32
          %add3A_349 = arith.addi %mul3A_339, %add3A_348 : i32
          %get3A_350 = arith.index_cast %add3A_349 : i32 to index
          %get3A_351 = arith.constant 0 : index
          %get3A_352 = tpu.vector_load %arg14[%get3A_350, %get3A_351] {strides = array<i32>} : memref<4096x16xf32, #tpu.memory_space<vmem>>, vector<16xf32>,
          %add3A_353 = arith.constant 3 : i32
          %add3A_354 = arith.addi %mul3A_339, %add3A_353 : i32
          %get3A_355 = arith.index_cast %add3A_354 : i32 to index
          %get3A_356 = arith.constant 0 : index
          %get3A_357 = tpu.vector_load %arg14[%get3A_355, %get3A_356] {strides = array<i32>} : memref<4096x16xf32, #tpu.memory_space<vmem>>, vector<16xf32>,
          %lt3A_358 = arith.cmpf olt, %get3A_342, %get3A_91 : vector<16xf32>
          %convert_element_type3A_359 = arith.extui %lt3A_358 : vector<16xi1> to vector<16xi32>
          %add3A_360 = arith.addi %while3A_334, %convert_element_type3A_359 : vector<16xi32>
          %lt3A_361 = arith.cmpf olt, %get3A_347, %get3A_91 : vector<16xf32>
          %convert_element_type3A_362 = arith.extui %lt3A_361 : vector<16xi1> to vector<16xi32>
          %add3A_363 = arith.addi %add3A_360, %convert_element_type3A_362 : vector<16xi32>
          %lt3A_364 = arith.cmpf olt, %get3A_352, %get3A_91 : vector<16xf32>
          %convert_element_type3A_365 = arith.extui %lt3A_364 : vector<16xi1> to vector<16xi32>
          %add3A_366 = arith.addi %add3A_363, %convert_element_type3A_365 : vector<16xi32>
          %lt3A_367 = arith.cmpf olt, %get3A_357, %get3A_91 : vector<16xf32>
          %convert_element_type3A_368 = arith.extui %lt3A_367 : vector<16xi1> to vector<16xi32>
          %add3A_369 = arith.addi %add3A_366, %convert_element_type3A_368 : vector<16xi32>
          %lt3A_370 = arith.cmpf olt, %get3A_342, %get3A_96 : vector<16xf32>
          %convert_element_type3A_371 = arith.extui %lt3A_370 : vector<16xi1> to vector<16xi32>
          %add3A_372 = arith.addi %while3A_335, %convert_element_type3A_371 : vector<16xi32>
          %lt3A_373 = arith.cmpf olt, %get3A_347, %get3A_96 : vector<16xf32>
          %convert_element_type3A_374 = arith.extui %lt3A_373 : vector<16xi1> to vector<16xi32>
          %add3A_375 = arith.addi %add3A_372, %convert_element_type3A_374 : vector<16xi32>
          %lt3A_376 = arith.cmpf olt, %get3A_352, %get3A_96 : vector<16xf32>
          %convert_element_type3A_377 = arith.extui %lt3A_376 : vector<16xi1> to vector<16xi32>
          %add3A_378 = arith.addi %add3A_375, %convert_element_type3A_377 : vector<16xi32>
          %lt3A_379 = arith.cmpf olt, %get3A_357, %get3A_96 : vector<16xf32>
          %convert_element_type3A_380 = arith.extui %lt3A_379 : vector<16xi1> to vector<16xi32>
          %add3A_381 = arith.addi %add3A_378, %convert_element_type3A_380 : vector<16xi32>
          %lt3A_382 = arith.cmpf olt, %get3A_342, %get3A_101 : vector<16xf32>
          %convert_element_type3A_383 = arith.extui %lt3A_382 : vector<16xi1> to vector<16xi32>
          %add3A_384 = arith.addi %while3A_336, %convert_element_type3A_383 : vector<16xi32>
          %lt3A_385 = arith.cmpf olt, %get3A_347, %get3A_101 : vector<16xf32>
          %convert_element_type3A_386 = arith.extui %lt3A_385 : vector<16xi1> to vector<16xi32>
          %add3A_387 = arith.addi %add3A_384, %convert_element_type3A_386 : vector<16xi32>
          %lt3A_388 = arith.cmpf olt, %get3A_352, %get3A_101 : vector<16xf32>
          %convert_element_type3A_389 = arith.extui %lt3A_388 : vector<16xi1> to vector<16xi32>
          %add3A_390 = arith.addi %add3A_387, %convert_element_type3A_389 : vector<16xi32>
          %lt3A_391 = arith.cmpf olt, %get3A_357, %get3A_101 : vector<16xf32>
          %convert_element_type3A_392 = arith.extui %lt3A_391 : vector<16xi1> to vector<16xi32>
          %add3A_393 = arith.addi %add3A_390, %convert_element_type3A_392 : vector<16xi32>
          %lt3A_394 = arith.cmpf olt, %get3A_342, %get3A_106 : vector<16xf32>
          %convert_element_type3A_395 = arith.extui %lt3A_394 : vector<16xi1> to vector<16xi32>
          %add3A_396 = arith.addi %while3A_337, %convert_element_type3A_395 : vector<16xi32>
          %lt3A_397 = arith.cmpf olt, %get3A_347, %get3A_106 : vector<16xf32>
          %convert_element_type3A_398 = arith.extui %lt3A_397 : vector<16xi1> to vector<16xi32>
          %add3A_399 = arith.addi %add3A_396, %convert_element_type3A_398 : vector<16xi32>
          %lt3A_400 = arith.cmpf olt, %get3A_352, %get3A_106 : vector<16xf32>
          %convert_element_type3A_401 = arith.extui %lt3A_400 : vector<16xi1> to vector<16xi32>
          %add3A_402 = arith.addi %add3A_399, %convert_element_type3A_401 : vector<16xi32>
          %lt3A_403 = arith.cmpf olt, %get3A_357, %get3A_106 : vector<16xf32>
          %convert_element_type3A_404 = arith.extui %lt3A_403 : vector<16xi1> to vector<16xi32>
          %add3A_405 = arith.addi %add3A_402, %convert_element_type3A_404 : vector<16xi32>
          scf.yield %add3A_369, %add3A_381, %add3A_393, %add3A_405 : vector<16xi32>, vector<16xi32>, vector<16xi32>, vector<16xi32>
        }
        %lt3A = arith.cmpf olt, %get3A_96, %get3A_91 : vector<16xf32>
        %convert_element_type3A = arith.extui %lt3A : vector<16xi1> to vector<16xi32>
        %add3A_132 = arith.addi %while3A_131#0, %convert_element_type3A : vector<16xi32>
        %lt3A_133 = arith.cmpf olt, %get3A_101, %get3A_91 : vector<16xf32>
        %convert_element_type3A_134 = arith.extui %lt3A_133 : vector<16xi1> to vector<16xi32>
        %add3A_135 = arith.addi %add3A_132, %convert_element_type3A_134 : vector<16xi32>
        %lt3A_136 = arith.cmpf olt, %get3A_106, %get3A_91 : vector<16xf32>
        %convert_element_type3A_137 = arith.extui %lt3A_136 : vector<16xi1> to vector<16xi32>
        %add3A_138 = arith.addi %add3A_135, %convert_element_type3A_137 : vector<16xi32>
        %le3A = arith.cmpf ole, %get3A_91, %get3A_96 : vector<16xf32>
        %convert_element_type3A_139 = arith.extui %le3A : vector<16xi1> to vector<16xi32>
        %add3A_140 = arith.addi %while3A_131#1, %convert_element_type3A_139 : vector<16xi32>
        %lt3A_141 = arith.cmpf olt, %get3A_101, %get3A_96 : vector<16xf32>
        %convert_element_type3A_142 = arith.extui %lt3A_141 : vector<16xi1> to vector<16xi32>
        %add3A_143 = arith.addi %add3A_140, %convert_element_type3A_142 : vector<16xi32>
        %lt3A_144 = arith.cmpf olt, %get3A_106, %get3A_96 : vector<16xf32>
        %convert_element_type3A_145 = arith.extui %lt3A_144 : vector<16xi1> to vector<16xi32>
        %add3A_146 = arith.addi %add3A_143, %convert_element_type3A_145 : vector<16xi32>
        %le3A_147 = arith.cmpf ole, %get3A_91, %get3A_101 : vector<16xf32>
        %convert_element_type3A_148 = arith.extui %le3A_147 : vector<16xi1> to vector<16xi32>
        %add3A_149 = arith.addi %while3A_131#2, %convert_element_type3A_148 : vector<16xi32>
        %le3A_150 = arith.cmpf ole, %get3A_96, %get3A_101 : vector<16xf32>
        %convert_element_type3A_151 = arith.extui %le3A_150 : vector<16xi1> to vector<16xi32>
        %add3A_152 = arith.addi %add3A_149, %convert_element_type3A_151 : vector<16xi32>
        %lt3A_153 = arith.cmpf olt, %get3A_106, %get3A_101 : vector<16xf32>
        %convert_element_type3A_154 = arith.extui %lt3A_153 : vector<16xi1> to vector<16xi32>
        %add3A_155 = arith.addi %add3A_152, %convert_element_type3A_154 : vector<16xi32>
        %le3A_156 = arith.cmpf ole, %get3A_91, %get3A_106 : vector<16xf32>
        %convert_element_type3A_157 = arith.extui %le3A_156 : vector<16xi1> to vector<16xi32>
        %add3A_158 = arith.addi %while3A_131#3, %convert_element_type3A_157 : vector<16xi32>
        %le3A_159 = arith.cmpf ole, %get3A_96, %get3A_106 : vector<16xf32>
        %convert_element_type3A_160 = arith.extui %le3A_159 : vector<16xi1> to vector<16xi32>
        %add3A_161 = arith.addi %add3A_158, %convert_element_type3A_160 : vector<16xi32>
        %le3A_162 = arith.cmpf ole, %get3A_101, %get3A_106 : vector<16xf32>
        %convert_element_type3A_163 = arith.extui %le3A_162 : vector<16xi1> to vector<16xi32>
        %add3A_164 = arith.addi %add3A_161, %convert_element_type3A_163 : vector<16xi32>
        %le3A_165 = arith.constant 1.000000e+02 : f32
        %le3A_166 = vector.broadcast %le3A_165 : f32 to vector<16xf32>
        %le3A_167 = arith.cmpf ole, %get3A_91, %le3A_166 : vector<16xf32>
        %lt3A_168 = arith.constant 32 : i32
        %lt3A_169 = vector.broadcast %lt3A_168 : i32 to vector<16xi32>
        %lt3A_170 = arith.cmpi slt, %add3A_138, %lt3A_169 : vector<16xi32>
        %and3A_171 = arith.andi %le3A_167, %lt3A_170 : vector<16xi1>
        %add3A_172 = arith.addi %mul3A_69, %add3A_138 : vector<16xi32>
        %add3A_173 = arith.addi %squeeze3A, %mul3A_88 : i32
        %add3A_174 = arith.constant 0 : i32
        %add3A_175 = arith.addi %add3A_173, %add3A_174 : i32
        %broadcast_in_dim3A_176 = vector.broadcast %add3A_175 : i32 to vector<16xi32>
        tpu.vector_store_idx %arg15[%add3A_172], %broadcast_in_dim3A_176 masked %and3A_171 : memref<4096xi32, #tpu.memory_space<vmem>>[vector<16xi32>], vector<16xi32>, vector<16xi1>
        %bitcast_convert_type3A = tpu.bitcast %get3A_91 : vector<16xf32> -> vector<16xi32>
        %shift_right_arithmetic3A_177 = arith.constant 1 : i32
        %shift_right_arithmetic3A_178 = vector.broadcast %shift_right_arithmetic3A_177 : i32 to vector<16xi32>
        %shift_right_arithmetic3A_179 = arith.shrsi %bitcast_convert_type3A, %shift_right_arithmetic3A_178 : vector<16xi32>
        %sub3A_180 = arith.constant 1597463007 : i32
        %sub3A_181 = vector.broadcast %sub3A_180 : i32 to vector<16xi32>
        %sub3A_182 = arith.subi %sub3A_181, %shift_right_arithmetic3A_179 : vector<16xi32>
        %bitcast_convert_type3A_183 = tpu.bitcast %sub3A_182 : vector<16xi32> -> vector<16xf32>
        %mul3A_184 = arith.constant 5.000000e-01 : f32
        %mul3A_185 = vector.broadcast %mul3A_184 : f32 to vector<16xf32>
        %mul3A_186 = arith.mulf %mul3A_185, %get3A_91 : vector<16xf32>
        %mul3A_187 = arith.mulf %mul3A_186, %bitcast_convert_type3A_183 : vector<16xf32>
        %mul3A_188 = arith.mulf %mul3A_187, %bitcast_convert_type3A_183 : vector<16xf32>
        %sub3A_189 = arith.constant 1.500000e+00 : f32
        %sub3A_190 = vector.broadcast %sub3A_189 : f32 to vector<16xf32>
        %sub3A_191 = arith.subf %sub3A_190, %mul3A_188 : vector<16xf32>
        %mul3A_192 = arith.mulf %bitcast_convert_type3A_183, %sub3A_191 : vector<16xf32>
        %mul3A_193 = arith.mulf %mul3A_186, %mul3A_192 : vector<16xf32>
        %mul3A_194 = arith.mulf %mul3A_193, %mul3A_192 : vector<16xf32>
        %sub3A_195 = arith.constant 1.500000e+00 : f32
        %sub3A_196 = vector.broadcast %sub3A_195 : f32 to vector<16xf32>
        %sub3A_197 = arith.subf %sub3A_196, %mul3A_194 : vector<16xf32>
        %mul3A_198 = arith.mulf %mul3A_192, %sub3A_197 : vector<16xf32>
        %mul3A_199 = arith.mulf %mul3A_186, %mul3A_198 : vector<16xf32>
        %mul3A_200 = arith.mulf %mul3A_199, %mul3A_198 : vector<16xf32>
        %sub3A_201 = arith.constant 1.500000e+00 : f32
        %sub3A_202 = vector.broadcast %sub3A_201 : f32 to vector<16xf32>
        %sub3A_203 = arith.subf %sub3A_202, %mul3A_200 : vector<16xf32>
        %mul3A_204 = arith.mulf %mul3A_198, %sub3A_203 : vector<16xf32>
        %mul3A_205 = arith.mulf %get3A_91, %mul3A_204 : vector<16xf32>
        tpu.vector_store_idx %arg16[%add3A_172], %mul3A_205 masked %and3A_171 : memref<4096xf32, #tpu.memory_space<vmem>>[vector<16xi32>], vector<16xf32>, vector<16xi1>
        %le3A_206 = arith.constant 1.000000e+02 : f32
        %le3A_207 = vector.broadcast %le3A_206 : f32 to vector<16xf32>
        %le3A_208 = arith.cmpf ole, %get3A_96, %le3A_207 : vector<16xf32>
        %lt3A_209 = arith.constant 32 : i32
        %lt3A_210 = vector.broadcast %lt3A_209 : i32 to vector<16xi32>
        %lt3A_211 = arith.cmpi slt, %add3A_146, %lt3A_210 : vector<16xi32>
        %and3A_212 = arith.andi %le3A_208, %lt3A_211 : vector<16xi1>
        %add3A_213 = arith.addi %mul3A_69, %add3A_146 : vector<16xi32>
        %add3A_214 = arith.addi %squeeze3A, %mul3A_88 : i32
        %add3A_215 = arith.constant 1 : i32
        %add3A_216 = arith.addi %add3A_214, %add3A_215 : i32
        %broadcast_in_dim3A_217 = vector.broadcast %add3A_216 : i32 to vector<16xi32>
        tpu.vector_store_idx %arg15[%add3A_213], %broadcast_in_dim3A_217 masked %and3A_212 : memref<4096xi32, #tpu.memory_space<vmem>>[vector<16xi32>], vector<16xi32>, vector<16xi1>
        %bitcast_convert_type3A_218 = tpu.bitcast %get3A_96 : vector<16xf32> -> vector<16xi32>
        %shift_right_arithmetic3A_219 = arith.constant 1 : i32
        %shift_right_arithmetic3A_220 = vector.broadcast %shift_right_arithmetic3A_219 : i32 to vector<16xi32>
        %shift_right_arithmetic3A_221 = arith.shrsi %bitcast_convert_type3A_218, %shift_right_arithmetic3A_220 : vector<16xi32>
        %sub3A_222 = arith.constant 1597463007 : i32
        %sub3A_223 = vector.broadcast %sub3A_222 : i32 to vector<16xi32>
        %sub3A_224 = arith.subi %sub3A_223, %shift_right_arithmetic3A_221 : vector<16xi32>
        %bitcast_convert_type3A_225 = tpu.bitcast %sub3A_224 : vector<16xi32> -> vector<16xf32>
        %mul3A_226 = arith.constant 5.000000e-01 : f32
        %mul3A_227 = vector.broadcast %mul3A_226 : f32 to vector<16xf32>
        %mul3A_228 = arith.mulf %mul3A_227, %get3A_96 : vector<16xf32>
        %mul3A_229 = arith.mulf %mul3A_228, %bitcast_convert_type3A_225 : vector<16xf32>
        %mul3A_230 = arith.mulf %mul3A_229, %bitcast_convert_type3A_225 : vector<16xf32>
        %sub3A_231 = arith.constant 1.500000e+00 : f32
        %sub3A_232 = vector.broadcast %sub3A_231 : f32 to vector<16xf32>
        %sub3A_233 = arith.subf %sub3A_232, %mul3A_230 : vector<16xf32>
        %mul3A_234 = arith.mulf %bitcast_convert_type3A_225, %sub3A_233 : vector<16xf32>
        %mul3A_235 = arith.mulf %mul3A_228, %mul3A_234 : vector<16xf32>
        %mul3A_236 = arith.mulf %mul3A_235, %mul3A_234 : vector<16xf32>
        %sub3A_237 = arith.constant 1.500000e+00 : f32
        %sub3A_238 = vector.broadcast %sub3A_237 : f32 to vector<16xf32>
        %sub3A_239 = arith.subf %sub3A_238, %mul3A_236 : vector<16xf32>
        %mul3A_240 = arith.mulf %mul3A_234, %sub3A_239 : vector<16xf32>
        %mul3A_241 = arith.mulf %mul3A_228, %mul3A_240 : vector<16xf32>
        %mul3A_242 = arith.mulf %mul3A_241, %mul3A_240 : vector<16xf32>
        %sub3A_243 = arith.constant 1.500000e+00 : f32
        %sub3A_244 = vector.broadcast %sub3A_243 : f32 to vector<16xf32>
        %sub3A_245 = arith.subf %sub3A_244, %mul3A_242 : vector<16xf32>
        %mul3A_246 = arith.mulf %mul3A_240, %sub3A_245 : vector<16xf32>
        %mul3A_247 = arith.mulf %get3A_96, %mul3A_246 : vector<16xf32>
        tpu.vector_store_idx %arg16[%add3A_213], %mul3A_247 masked %and3A_212 : memref<4096xf32, #tpu.memory_space<vmem>>[vector<16xi32>], vector<16xf32>, vector<16xi1>
        %le3A_248 = arith.constant 1.000000e+02 : f32
        %le3A_249 = vector.broadcast %le3A_248 : f32 to vector<16xf32>
        %le3A_250 = arith.cmpf ole, %get3A_101, %le3A_249 : vector<16xf32>
        %lt3A_251 = arith.constant 32 : i32
        %lt3A_252 = vector.broadcast %lt3A_251 : i32 to vector<16xi32>
        %lt3A_253 = arith.cmpi slt, %add3A_155, %lt3A_252 : vector<16xi32>
        %and3A_254 = arith.andi %le3A_250, %lt3A_253 : vector<16xi1>
        %add3A_255 = arith.addi %mul3A_69, %add3A_155 : vector<16xi32>
        %add3A_256 = arith.addi %squeeze3A, %mul3A_88 : i32
        %add3A_257 = arith.constant 2 : i32
        %add3A_258 = arith.addi %add3A_256, %add3A_257 : i32
        %broadcast_in_dim3A_259 = vector.broadcast %add3A_258 : i32 to vector<16xi32>
        tpu.vector_store_idx %arg15[%add3A_255], %broadcast_in_dim3A_259 masked %and3A_254 : memref<4096xi32, #tpu.memory_space<vmem>>[vector<16xi32>], vector<16xi32>, vector<16xi1>
        %bitcast_convert_type3A_260 = tpu.bitcast %get3A_101 : vector<16xf32> -> vector<16xi32>
        %shift_right_arithmetic3A_261 = arith.constant 1 : i32
        %shift_right_arithmetic3A_262 = vector.broadcast %shift_right_arithmetic3A_261 : i32 to vector<16xi32>
        %shift_right_arithmetic3A_263 = arith.shrsi %bitcast_convert_type3A_260, %shift_right_arithmetic3A_262 : vector<16xi32>
        %sub3A_264 = arith.constant 1597463007 : i32
        %sub3A_265 = vector.broadcast %sub3A_264 : i32 to vector<16xi32>
        %sub3A_266 = arith.subi %sub3A_265, %shift_right_arithmetic3A_263 : vector<16xi32>
        %bitcast_convert_type3A_267 = tpu.bitcast %sub3A_266 : vector<16xi32> -> vector<16xf32>
        %mul3A_268 = arith.constant 5.000000e-01 : f32
        %mul3A_269 = vector.broadcast %mul3A_268 : f32 to vector<16xf32>
        %mul3A_270 = arith.mulf %mul3A_269, %get3A_101 : vector<16xf32>
        %mul3A_271 = arith.mulf %mul3A_270, %bitcast_convert_type3A_267 : vector<16xf32>
        %mul3A_272 = arith.mulf %mul3A_271, %bitcast_convert_type3A_267 : vector<16xf32>
        %sub3A_273 = arith.constant 1.500000e+00 : f32
        %sub3A_274 = vector.broadcast %sub3A_273 : f32 to vector<16xf32>
        %sub3A_275 = arith.subf %sub3A_274, %mul3A_272 : vector<16xf32>
        %mul3A_276 = arith.mulf %bitcast_convert_type3A_267, %sub3A_275 : vector<16xf32>
        %mul3A_277 = arith.mulf %mul3A_270, %mul3A_276 : vector<16xf32>
        %mul3A_278 = arith.mulf %mul3A_277, %mul3A_276 : vector<16xf32>
        %sub3A_279 = arith.constant 1.500000e+00 : f32
        %sub3A_280 = vector.broadcast %sub3A_279 : f32 to vector<16xf32>
        %sub3A_281 = arith.subf %sub3A_280, %mul3A_278 : vector<16xf32>
        %mul3A_282 = arith.mulf %mul3A_276, %sub3A_281 : vector<16xf32>
        %mul3A_283 = arith.mulf %mul3A_270, %mul3A_282 : vector<16xf32>
        %mul3A_284 = arith.mulf %mul3A_283, %mul3A_282 : vector<16xf32>
        %sub3A_285 = arith.constant 1.500000e+00 : f32
        %sub3A_286 = vector.broadcast %sub3A_285 : f32 to vector<16xf32>
        %sub3A_287 = arith.subf %sub3A_286, %mul3A_284 : vector<16xf32>
        %mul3A_288 = arith.mulf %mul3A_282, %sub3A_287 : vector<16xf32>
        %mul3A_289 = arith.mulf %get3A_101, %mul3A_288 : vector<16xf32>
        tpu.vector_store_idx %arg16[%add3A_255], %mul3A_289 masked %and3A_254 : memref<4096xf32, #tpu.memory_space<vmem>>[vector<16xi32>], vector<16xf32>, vector<16xi1>
        %le3A_290 = arith.constant 1.000000e+02 : f32
        %le3A_291 = vector.broadcast %le3A_290 : f32 to vector<16xf32>
        %le3A_292 = arith.cmpf ole, %get3A_106, %le3A_291 : vector<16xf32>
        %lt3A_293 = arith.constant 32 : i32
        %lt3A_294 = vector.broadcast %lt3A_293 : i32 to vector<16xi32>
        %lt3A_295 = arith.cmpi slt, %add3A_164, %lt3A_294 : vector<16xi32>
        %and3A_296 = arith.andi %le3A_292, %lt3A_295 : vector<16xi1>
        %add3A_297 = arith.addi %mul3A_69, %add3A_164 : vector<16xi32>
        %add3A_298 = arith.addi %squeeze3A, %mul3A_88 : i32
        %add3A_299 = arith.constant 3 : i32
        %add3A_300 = arith.addi %add3A_298, %add3A_299 : i32
        %broadcast_in_dim3A_301 = vector.broadcast %add3A_300 : i32 to vector<16xi32>
        tpu.vector_store_idx %arg15[%add3A_297], %broadcast_in_dim3A_301 masked %and3A_296 : memref<4096xi32, #tpu.memory_space<vmem>>[vector<16xi32>], vector<16xi32>, vector<16xi1>
        %bitcast_convert_type3A_302 = tpu.bitcast %get3A_106 : vector<16xf32> -> vector<16xi32>
        %shift_right_arithmetic3A_303 = arith.constant 1 : i32
        %shift_right_arithmetic3A_304 = vector.broadcast %shift_right_arithmetic3A_303 : i32 to vector<16xi32>
        %shift_right_arithmetic3A_305 = arith.shrsi %bitcast_convert_type3A_302, %shift_right_arithmetic3A_304 : vector<16xi32>
        %sub3A_306 = arith.constant 1597463007 : i32
        %sub3A_307 = vector.broadcast %sub3A_306 : i32 to vector<16xi32>
        %sub3A_308 = arith.subi %sub3A_307, %shift_right_arithmetic3A_305 : vector<16xi32>
        %bitcast_convert_type3A_309 = tpu.bitcast %sub3A_308 : vector<16xi32> -> vector<16xf32>
        %mul3A_310 = arith.constant 5.000000e-01 : f32
        %mul3A_311 = vector.broadcast %mul3A_310 : f32 to vector<16xf32>
        %mul3A_312 = arith.mulf %mul3A_311, %get3A_106 : vector<16xf32>
        %mul3A_313 = arith.mulf %mul3A_312, %bitcast_convert_type3A_309 : vector<16xf32>
        %mul3A_314 = arith.mulf %mul3A_313, %bitcast_convert_type3A_309 : vector<16xf32>
        %sub3A_315 = arith.constant 1.500000e+00 : f32
        %sub3A_316 = vector.broadcast %sub3A_315 : f32 to vector<16xf32>
        %sub3A_317 = arith.subf %sub3A_316, %mul3A_314 : vector<16xf32>
        %mul3A_318 = arith.mulf %bitcast_convert_type3A_309, %sub3A_317 : vector<16xf32>
        %mul3A_319 = arith.mulf %mul3A_312, %mul3A_318 : vector<16xf32>
        %mul3A_320 = arith.mulf %mul3A_319, %mul3A_318 : vector<16xf32>
        %sub3A_321 = arith.constant 1.500000e+00 : f32
        %sub3A_322 = vector.broadcast %sub3A_321 : f32 to vector<16xf32>
        %sub3A_323 = arith.subf %sub3A_322, %mul3A_320 : vector<16xf32>
        %mul3A_324 = arith.mulf %mul3A_318, %sub3A_323 : vector<16xf32>
        %mul3A_325 = arith.mulf %mul3A_312, %mul3A_324 : vector<16xf32>
        %mul3A_326 = arith.mulf %mul3A_325, %mul3A_324 : vector<16xf32>
        %sub3A_327 = arith.constant 1.500000e+00 : f32
        %sub3A_328 = vector.broadcast %sub3A_327 : f32 to vector<16xf32>
        %sub3A_329 = arith.subf %sub3A_328, %mul3A_326 : vector<16xf32>
        %mul3A_330 = arith.mulf %mul3A_324, %sub3A_329 : vector<16xf32>
        %mul3A_331 = arith.mulf %get3A_106, %mul3A_330 : vector<16xf32>
        tpu.vector_store_idx %arg16[%add3A_297], %mul3A_331 masked %and3A_296 : memref<4096xf32, #tpu.memory_space<vmem>>[vector<16xi32>], vector<16xf32>, vector<16xi1>
        %while3A_332 = arith.constant 0 : i32
        scf.yield %while3A_332 : i32
      }
      %scan3A_84 = arith.constant 0 : i32
      scf.yield %scan3A_84 : i32
    }
    %scan3A_15 = arith.constant 8 : i32
    %mul3A_16 = arith.constant 32 : i32
    %mul3A_17 = arith.muli %mul3A_2, %mul3A_16 : i32
    "tpu.region"() ({
      %run_scoped3A = tpu.sem_alloc : memref<!tpu.dma_semaphore, #tpu.memory_space<semaphore_mem>>
      %dma_start3A = tpu.memref_slice %arg7[%mul3A_17] : memref<131072xi32, #tpu.memory_space<hbm>> -> memref<4096xi32, #tpu.memory_space<hbm>>
      %dma_start3A_20 = tpu.memref_slice %arg7[%mul3A_17] : memref<131072xi32, #tpu.memory_space<hbm>> -> memref<4096xi32, #tpu.memory_space<hbm>>
      tpu.enqueue_dma source(%arg15 : memref<4096xi32, #tpu.memory_space<vmem>>) target(%dma_start3A_20 : memref<4096xi32, #tpu.memory_space<hbm>>) target_semaphore(%run_scoped3A : memref<!tpu.dma_semaphore, #tpu.memory_space<semaphore_mem>>)
      %dma_wait3A = tpu.memref_slice %arg7[%mul3A_17] : memref<131072xi32, #tpu.memory_space<hbm>> -> memref<4096xi32, #tpu.memory_space<hbm>>
      %dma_wait3A_21 = tpu.memref_slice %arg7[%mul3A_17] : memref<131072xi32, #tpu.memory_space<hbm>> -> memref<4096xi32, #tpu.memory_space<hbm>>
      tpu.wait_dma2 semaphore(%run_scoped3A : memref<!tpu.dma_semaphore, #tpu.memory_space<semaphore_mem>>) src(%arg15 : memref<4096xi32, #tpu.memory_space<vmem>>) dst(%dma_wait3A_21 : memref<4096xi32, #tpu.memory_space<hbm>>)
      tpu.yield
    }) : () -> ()
    %mul3A_18 = arith.constant 32 : i32
    %mul3A_19 = arith.muli %mul3A_2, %mul3A_18 : i32
    "tpu.region"() ({
      %run_scoped3A = tpu.sem_alloc : memref<!tpu.dma_semaphore, #tpu.memory_space<semaphore_mem>>
      %dma_start3A = tpu.memref_slice %arg8[%mul3A_19] : memref<131072xf32, #tpu.memory_space<hbm>> -> memref<4096xf32, #tpu.memory_space<hbm>>
      %dma_start3A_20 = tpu.memref_slice %arg8[%mul3A_19] : memref<131072xf32, #tpu.memory_space<hbm>> -> memref<4096xf32, #tpu.memory_space<hbm>>
      tpu.enqueue_dma source(%arg16 : memref<4096xf32, #tpu.memory_space<vmem>>) target(%dma_start3A_20 : memref<4096xf32, #tpu.memory_space<hbm>>) target_semaphore(%run_scoped3A : memref<!tpu.dma_semaphore, #tpu.memory_space<semaphore_mem>>)
      %dma_wait3A = tpu.memref_slice %arg8[%mul3A_19] : memref<131072xf32, #tpu.memory_space<hbm>> -> memref<4096xf32, #tpu.memory_space<hbm>>
      %dma_wait3A_21 = tpu.memref_slice %arg8[%mul3A_19] : memref<131072xf32, #tpu.memory_space<hbm>> -> memref<4096xf32, #tpu.memory_space<hbm>>
      tpu.wait_dma2 semaphore(%run_scoped3A : memref<!tpu.dma_semaphore, #tpu.memory_space<semaphore_mem>>) src(%arg16 : memref<4096xf32, #tpu.memory_space<vmem>>) dst(%dma_wait3A_21 : memref<4096xf32, #tpu.memory_space<hbm>>)
      tpu.yield
    }) : () -> ()
    return
  }
}

</mosaic_0001>

<sc_bundles>
// kernel: _radius_graph_sc.3.cloned.1.call-start
scs
__scs_entry_jumppad:
0x0: {  	(pc) =	sbr.rel $0x88, $3  }
0x1: {  	(tag) =	ssettag $0x0;
	lr =	simm.s32 $0x1  }
0x2: {  	[smem:$0x3F9F] =	sst lr;
	_ =	strace $0xD0000000  }
0x3: {  	_ = 	snop  }
0x4: {  	_ = 	snop  }
0x5: {  	_ = 	snop  }
0x6: {  	_ = 	snop  }
0x7: {  	_ = 	snop  }
__scs_overlays_trampoline_lowered:
0x8: {  	[smem:$0x3FAE] =	sst s0  }
0x9: {  	[smem:$0x3FAF] =	sst s1  }
0xa: {  	[smem:$0x3FB0] =	sst s2  }
0xb: {  	[smem:$0x3FB1] =	sst s3  }
0xc: {  	[smem:$0x3FB2] =	sst s4  }
0xd: {  	[smem:$0x3FB3] =	sst s5  }
0xe: {  	[smem:$0x3FB4] =	sst s6  }
0xf: {  	[smem:$0x3FB5] =	sst s7  }
0x10: {  	[smem:$0x3FB6] =	sst s8  }
0x11: {  	[smem:$0x3FB7] =	sst s9;
	s0 =	simm.s32 @!p0 $0x0  }
0x12: {  	s1 =	sld [smem:$0x3F9D];
	s0 =	simm.s32 @p0 $0x1  }
0x13: {  	[smem:$0x3FB8] =	sst s0;
	s0 =	simm.s32 @!p1 $0x0  }
0x14: {  	s2 =	sld [smem:$0x3F9C];
	s0 =	simm.s32 @p1 $0x1  }
0x15: {  	[smem:$0x3FB9] =	sst s0;
	s0 =	simm.s32 @!p2 $0x0  }
0x16: {  	s3 =	sld [smem:$0x3FDB];
	s0 =	simm.s32 @p2 $0x1  }
0x17: {  	s4 =	simm.s32 $0x1BF5;
	[smem:$0x3FBB] =	sst s0  }
0x18: {  	s0 =	sld [smem:$0x3F9E];
	_ =	swait.ge [sflag:s4], $0x0  }
0x19: {  	s7 =	sld [smem:$0x3F9F]  }
0x1a: {  	s8 =	sadd.s32 $0xFFFFE003, lr  }
0x1b: {  	s9 =	sadd.s32 $0xFFFFFEF7, lr;
	s5 =	simm.s32 $0xFFFFFFFF;
	p2 =	slt.u32 s8, $0xFFFFF086  }
0x1c: {  	p1 =	slt.u32 s9, $0xF7A;
	s5 =	simm.s32 @!p2 $0x0  }
0x1d: {  	s5 =	simm.s32 @p1 $0x1;
	p0 =	seq.s32 s7, s2  }
0x1e: {  	s7 =	smul.u32 @!p0 $0xF7A, s2;
	p2 =	seq.s32 @!p0 s5, $0x0  }
0x1f: {  	s9 =	smul.u32 $0xF7A, s1;
	s8 =	simm.s32 @!p0 $0x1BF5;
	p2 =	por !p2, p0  }
0x20: {  	[sflag:s8] =	ssyncset.s32 @!p0 $0xFFFFF086;
	s6 =	sadd.s32 @!p0 s3, s7;
	s7 =	simm.s32 @!p0 $0x108  }
0x21: {  	s3 =	sadd.s32 s3, s9;
	s6 =	sadd.s32 @!p0 $0x88, s6;
	s7 =	simm.s32 @p2 $0x1082  }
0x22: {  	[simem:s7], [sflag:s8] =	dma.local @!p0 [hbm:s6], $0xF7A  }
0x23: {  	s9 =	sor.u32 $0xD0000000, s2;
	s6 =	simm.s32 $0x108;
	_ =	swait.ge @!p0 [sflag:s8], $0x0  }
0x24: {  	s3 =	sadd.s32 $0x88, s3;
	s6 =	simm.s32 @!p1 $0x1082;
	[sflag:s4] =	ssyncset.s32 $0xFFFFF086  }
0x25: {  	[simem:s6], [sflag:s4] =	dma.local [hbm:s3], $0xF7A  }
0x26: {  	[smem:$0x3F9F] =	sst s1;
	(tag) =	ssettag s2;
	_ =	strace s9  }
0x27: {  	s1 =	sld [smem:$0x3FAF]  }
0x28: {  	s2 =	sld [smem:$0x3FB0]  }
0x29: {  	s4 =	sld [smem:$0x3FB2]  }
0x2a: {  	p0 =	seq.s32 s5, $0x0;
	s5 =	sld [smem:$0x3FB3]  }
0x2b: {  	s6 =	sld [smem:$0x3FB4]  }
0x2c: {  	s7 =	sld [smem:$0x3FB5]  }
0x2d: {  	s3 =	simm.s32 $0x108;
	s8 =	sld [smem:$0x3FB6]  }
0x2e: {  	s3 =	simm.s32 @!p0 $0x1082;
	s9 =	sld [smem:$0x3FB7]  }
0x2f: {  	lr =	sadd.s32 s0, s3;
	s0 =	sld [smem:$0x3FAE]  }
0x30: {  	s3 =	sld [smem:$0x3FB1]  }
0x31: {  	[smem:$0x3FBA] =	sst s10  }
0x32: {  	s10 =	sld [smem:$0x3FB8];
	_ =	sdelay $0x3  }
0x33: {  	p0 =	seq.s32 s10, $0x1;
	s10 =	sld [smem:$0x3FBA];
	_ =	sdelay $0x3  }
0x34: {  	[smem:$0x3FBA] =	sst s10  }
0x35: {  	s10 =	sld [smem:$0x3FB9];
	_ =	sdelay $0x3  }
0x36: {  	p1 =	seq.s32 s10, $0x1;
	s10 =	sld [smem:$0x3FBA];
	_ =	sdelay $0x3  }
0x37: {  	[smem:$0x3FBA] =	sst s10  }
0x38: {  	s10 =	sld [smem:$0x3FBB]  }
0x39: {  	_ = 	snop;
	(pc) =	sbr.ind lr, $3  }
0x3a: {  	_ = 	snop  }
0x3b: {  	_ = 	snop  }
0x3c: {  	p2 =	seq.s32 s10, $0x1;
	s10 =	sld [smem:$0x3FBA]  }
0x3d: {  	_ =	shalt  }
0x3e: {  	_ =	shalt  }
0x3f: {  	_ =	shalt  }
0x40: {  	_ =	shalt  }
0x41: {  	_ =	shalt  }
0x42: {  	_ =	shalt  }
0x43: {  	_ =	shalt  }
0x44: {  	_ =	shalt  }
0x45: {  	_ =	shalt  }
0x46: {  	_ =	shalt  }
0x47: {  	_ =	shalt  }
0x48: {  	_ =	shalt  }
0x49: {  	_ =	shalt  }
0x4a: {  	_ =	shalt  }
0x4b: {  	_ =	shalt  }
0x4c: {  	_ =	shalt  }
0x4d: {  	_ =	shalt  }
0x4e: {  	_ =	shalt  }
0x4f: {  	_ =	shalt  }
0x50: {  	_ =	shalt  }
0x51: {  	_ =	shalt  }
0x52: {  	_ =	shalt  }
0x53: {  	_ =	shalt  }
0x54: {  	_ =	shalt  }
0x55: {  	_ =	shalt  }
0x56: {  	_ =	shalt  }
0x57: {  	_ =	shalt  }
0x58: {  	_ =	shalt  }
0x59: {  	_ =	shalt  }
0x5a: {  	_ =	shalt  }
0x5b: {  	_ =	shalt  }
0x5c: {  	_ =	shalt  }
0x5d: {  	_ =	shalt  }
0x5e: {  	_ =	shalt  }
0x5f: {  	_ =	shalt  }
0x60: {  	_ =	shalt  }
0x61: {  	_ =	shalt  }
0x62: {  	_ =	shalt  }
0x63: {  	_ =	shalt  }
0x64: {  	_ =	shalt  }
0x65: {  	_ =	shalt  }
0x66: {  	_ =	shalt  }
0x67: {  	_ =	shalt  }
0x68: {  	_ =	shalt  }
0x69: {  	_ =	shalt  }
0x6a: {  	_ =	shalt  }
0x6b: {  	_ =	shalt  }
0x6c: {  	_ =	shalt  }
0x6d: {  	_ =	shalt  }
0x6e: {  	_ =	shalt  }
0x6f: {  	_ =	shalt  }
0x70: {  	_ =	shalt  }
0x71: {  	_ =	shalt  }
0x72: {  	_ =	shalt  }
0x73: {  	_ =	shalt  }
0x74: {  	_ =	shalt  }
0x75: {  	_ =	shalt  }
0x76: {  	_ =	shalt  }
0x77: {  	_ =	shalt  }
0x78: {  	_ =	shalt  }
0x79: {  	_ =	shalt  }
0x7a: {  	_ =	shalt  }
0x7b: {  	_ =	shalt  }
0x7c: {  	_ =	shalt  }
0x7d: {  	_ =	shalt  }
0x7e: {  	_ =	shalt  }
0x7f: {  	_ =	shalt  }
0x80: {  	_ =	shalt  }
0x81: {  	_ =	shalt  }
0x82: {  	_ =	shalt  }
0x83: {  	_ =	shalt  }
0x84: {  	_ =	shalt  }
0x85: {  	_ =	shalt  }
0x86: {  	_ =	shalt  }
0x87: {  	_ =	shalt  }
.Lfunc_end0:
.L_simem_size_0:
called_computation_lowered:
.L_overlay_start_0:
0x88: {  	s2 =	sld [smem:$0x3FD9]  }
0x89: {  	s3 =	sld [smem:$0x3FFE];
	_ =	sdelay $0x1  }
0x8a: {  	s1 =	srdreg.scid  }
0x8b: {  	s0 =	sand.u32 $0x1, s1  }
0x8c: {  	s14 =	sshll.u32 s0, $0xA;
	s2 =	sadd.s32 s3, s2  }
0x8d: {  	s2 =	sadd.s32 s2, s14  }
0x8e: {  	[smem:$0x3FC6] =	sst s2  }
0x8f: {  	_ = 	snop  }
0x90: {  	s2 =	sld [smem:$0x3FD0];
	_ =	sdelay $0x2  }
0x91: {  	s15 =	simm.s32 $0xA;
	s4 =	simm.s32 $0x10  }
0x92: {  	[smem:s4], [sflag:s15] =	dma.local [hbm:s2], $0x1  }
0x93: {  	_ =	swait.eq [sflag:s15], $0x1  }
0x94: {  	[sflag:s15] =	ssyncset.done $0x0  }
0x95: {  	s16 =	sld [smem:$0x10];
	[sflag:s15] =	ssyncadd.s32 $0xFFFFFFFF  }
0x96: {  	s17 =	sld [smem:$0x11];
	(tm) =	ssettm $0x1  }
0x97: {  	s18 =	sld [smem:$0x3FFB];
	_ =	sdelay $0x3  }
0x98: {  	_ =	strace s18  }
0x99: {  	s4 =	sld [smem:$0x3FFC];
	_ =	sdelay $0x3  }
0x9a: {  	_ =	strace s4  }
0x9b: {  	s4 =	sld [smem:$0x3FFD];
	_ =	sdelay $0x3  }
0x9c: {  	_ =	strace s4  }
0x9d: {  	_ =	strace $0x8FFFFFFF  }
0x9e: {  	s19 =	sld [smem:$0x3FDB];
	_ =	sdelay $0x1  }
0x9f: {  	s5 =	simm.s32 $_scs_section_size  }
0xa0: {  	s6 =	simm.s32 $_size__tile_overlayer_lowered;
	s7 =	simm.s32 $_tile_overlayer_lowered  }
0xa1: {  	s22 =	simm.s32 $0x1BFF;
	s21 =	sshll.u32 s7, $0x1;
	s4 =	sadd.s32 s5, s19  }
0xa2: {  	s8 =	simm.s32 $0x0;
	s20 =	sshll.u32 s6, $0x1;
	s6 =	sadd.s32 s21, s4  }
0xa3: {  	[timem:s8], [sflag:s22] =	dma.local [hbm:s6], s20  }
0xa4: {  	_ =	swait.ge [sflag:s22], s20  }
0xa5: {  	s5 =	ssub.s32 $0x0, s20;
	[sflag:s22] =	ssyncset.done $0x0  }
0xa6: {  	[sflag:s22] =	ssyncadd.s32 s5;
	_ =	sdelay $0x1  }
0xa7: {  	s23 =	simm.s32 $0x1B8B  }
0xa8: {  	_ =	swait.ge [sflag:s23], $0x1  }
0xa9: {  	[sflag:s23] =	ssyncset.done $0x0  }
0xaa: {  	s25 =	simm.s32 $0x1B8E;
	s24 =	sld [smem:$0x3FFE];
	[sflag:s23] =	ssyncadd.s32 $0xFFFFFFFF  }
0xab: {  	s26 =	simm.s32 $execute0_lowered;
	[smem:$0x3FD2] =	sst s25  }
0xac: {  	s6 =	sshll.u32 s26, $0x1;
	_ =	strace $0x80000046;
	[dreg:$0x1] =	wrdreg $0xFFFFFFFF  }
0xad: {  	s28 =	simm.s32 $_size_execute0_lowered;
	s4 =	sadd.s32 s4, s6;
	[dreg:$0x0] =	wrdreg $0x0  }
0xae: {  	s6 =	sshll.u32 s28, $0x1;
	[dreg:$0x2] =	wrdreg s4  }
0xaf: {  	[dreg:$0x3] =	wrdreg s6  }
0xb0: {  	[dreg:$0x4] =	wrdreg $0xC0  }
0xb1: {  	_ =	task [dreg:s8], $0x5FFFF  }
0xb2: {  	[dreg:$0x1] =	wrdreg $0xFFFFFFFF  }
0xb3: {  	[dreg:$0x0] =	wrdreg $0x60  }
0xb4: {  	[dreg:$0x2] =	wrdreg s16  }
0xb5: {  	[dreg:$0x3] =	wrdreg s24  }
0xb6: {  	[dreg:$0x4] =	wrdreg s17  }
0xb7: {  	[dreg:$0x5] =	wrdreg $0x9  }
0xb8: {  	_ =	task.clear_ibuf [dreg:s8], $0x6FFFF;
	_ =	strace $0x90000046  }
0xb9: {  	s29 =	simm.s32 $0x9;
	_ =	strace $0x80000048  }
0xba: {  	_ =	swait.ge [sflag:s29], $0x1  }
0xbb: {  	[sflag:s29] =	ssyncadd.s32 $0xFFFFFFFF  }
0xbc: {  	_ =	strace $0x90000048  }
0xbd: {  	_ =	sfence  }
0xbe: {  	s30 =	sld [smem:$0x0];
	_ =	sdelay $0x2  }
0xbf: {  	s31 =	sshll.u32 s1, $0xD;
	s1 =	sshrl.u32 s1, $0x2  }
0xc0: {  	s3 =	sand.u32 $0x4000, s31;
	s1 =	sadd.s32 s1, s30  }
0xc1: {  	s0 =	sor.u32 s3, s0;
	s1 =	sshll.u32 s1, $0x11  }
0xc2: {  	s0 =	sor.u32 s1, s0  }
0xc3: {  	s0 =	sadd.s32 $0x8F2B, s0  }
0xc4: {  	[sflag:s0] =	ssyncadd.remote.s32 $0x1  }
0xc5: {  	_ =	sfence.sel $0xFFFF  }
0xc6: {  	[dreg:$0x0] =	wrdreg $0xFFFFFFFF;
	(pc) =	sbr.abs _section_cstart, $3  }
0xc7: {  	[dreg:$0x1] =	wrdreg $0xFFFFFFFF  }
0xc8: {  	_ =	task.clear_ibuf [dreg:s8], $0x2FFFF;
	_ =	strace $0x9FFFFFFF  }
0xc9: {  	(tm) =	ssettm $0x7FFFFFFF  }
tec
execute0_lowered:
.L_overlay_start_1:
0x0: {  	(tag) =	ssettag $0x1  }
0x1: {  	s1 =	rddreg [dreg:$0x0]  }
0x2: {  	s2 =	rddreg [dreg:$0x1]  }
0x3: {  	s10 =	rddreg [dreg:$0x2]  }
0x4: {  	s0 =	rddreg [dreg:$0x3];
	s3 =	simm.s32 $0x0;
	s4 =	srdreg.scid  }
0x5: {  	s14 =	simm.s32 $0x2020;
	s15 =	simm.s32 $0x3030;
	s16 =	simm.s32 $0x4040  }
0x6: {  	s17 =	simm.s32 $0x15050;
	s18 =	simm.s32 $0x16050;
	s19 =	simm.s32 $0x0  }
0x7: {  	[smem:$0x7FF] =	sst s3;
	s6 =	sand.u32 $0x1, s4;
	s4 =	stileid.u32  }
0x8: {  	s5 =	sadd.s32 $0x400, s2;
	_ =	strace $0x80000047;
	s7 =	sshll.u32 s6, $0x4  }
.Ltmp0:
0x9: {  	s9 =	ssub.s32 $0x2, s6;
	s6 =	sadd.s32 $0x800, s2;
	(pc) =	sbr.rel .LBB2_1-.Ltmp0, $4  }
0xa: {  	s8 =	sor.u32 s4, s7;
	s12 =	sshrl.u32 s9, $0x1;
	s7 =	sadd.s32 $0xC00, s2  }
0xb: {  	s11 =	sshll.u32 s8, $0x9;
	s12 =	ssub.s32 s9, s12;
	s8 =	sshll.u32 s8, $0x7  }
0xc: {  	v1 =	vimm.f32 $0.0e+00;
	v2 =	vlaneseq.u32;
	v3 =	vimm.f32 $3.000000010e+38;
	s13 =	sadd.s32 s11, s2;
	s10 =	sadd.s32 s10, s11;
	s11 =	smax.u32 s12, $0x1  }
0xd: {  	v5 =	vimm.s32 $0x0;
	v4 =	vmul.u32 $0x20, v2;
	s12 =	simm.s32 $0x1;
	v0 =	vmov s8;
	s9 =	sadd.s32 $0x1000, s13;
	s13 =	simm.s32 $0x1010  }
.LBB2_27:
0xe: {  	[hbm4b:s9+s3] =	stream.linear.scatter [tilespmem:s17], [sflag:$0x1], $0x1000, $0x38;
	[tilespmem:$0x17050] =	vst v63  }
0xf: {  	s19 =	sadd.s32 $0x1, s19;
	_ =	swait.ge [sflag:s12], $0x1000  }
0x10: {  	p0 =	sne.s32 s19, s11;
	[sflag:s12] =	ssyncset.done $0x0  }
.Ltmp1:
0x11: {  	[sflag:s12] =	ssyncadd.s32 $0xFFFFF000;
	(pc) =	sbr.rel @!p0 .LBB2_28-.Ltmp1, $4  }
0x12: {  	[hbm4b:s10+s3] =	stream.linear.scatter [tilespmem:s18], [sflag:$0x1], $0x1000, $0x38;
	[tilespmem:$0x17050] =	vst v63  }
0x13: {  	_ =	swait.ge [sflag:s12], $0x1000  }
0x14: {  	[sflag:s12] =	ssyncset.done $0x0  }
0x15: {  	[sflag:s12] =	ssyncadd.s32 $0xFFFFF000  }
.LBB2_1:
0x16: {  	[tilespmem:s3], [sflag:$0x1] =	stream.linear.gather [hbm4b:s1+s3], $0x1010, $0x38;
	[tilespmem:$0x17050] =	vst v63  }
0x17: {  	_ =	swait.ge [sflag:s12], $0x1010  }
0x18: {  	[sflag:s12] =	ssyncset.done $0x0  }
0x19: {  	[sflag:s12] =	ssyncadd.s32 $0xFFFFEFF0  }
0x1a: {  	[tilespmem:s13], [sflag:$0x1] =	stream.linear.gather [hbm4b:s2+s3], $0x1010, $0x38;
	[tilespmem:$0x17050] =	vst v63  }
0x1b: {  	_ =	swait.ge [sflag:s12], $0x1010  }
0x1c: {  	[sflag:s12] =	ssyncset.done $0x0  }
0x1d: {  	[sflag:s12] =	ssyncadd.s32 $0xFFFFEFF0  }
0x1e: {  	[tilespmem:s14], [sflag:$0x1] =	stream.linear.gather [hbm4b:s5+s3], $0x1010, $0x38;
	[tilespmem:$0x17050] =	vst v63  }
0x1f: {  	_ =	swait.ge [sflag:s12], $0x1010  }
0x20: {  	[sflag:s12] =	ssyncset.done $0x0  }
0x21: {  	[sflag:s12] =	ssyncadd.s32 $0xFFFFEFF0  }
0x22: {  	[tilespmem:s15], [sflag:$0x1] =	stream.linear.gather [hbm4b:s6+s3], $0x1010, $0x38;
	[tilespmem:$0x17050] =	vst v63  }
0x23: {  	_ =	swait.ge [sflag:s12], $0x1010  }
0x24: {  	[sflag:s12] =	ssyncset.done $0x0  }
0x25: {  	v6 =	vmov s3;
	[sflag:s12] =	ssyncadd.s32 $0xFFFFEFF0  }
0x26: {  	v6 =	vshra.s32 v6, $0x5;
	[tilespmem:s16], [sflag:$0x1] =	stream.linear.gather [hbm4b:s7+s3], $0x1010, $0x38;
	[tilespmem:$0x17050] =	vst v63  }
0x27: {  	v6 =	vadd.s32 v0, v6;
	_ =	swait.ge [sflag:s12], $0x1010  }
0x28: {  	v6 =	vbroadcast v6, $0x0;
	[sflag:s12] =	ssyncset.done $0x0  }
0x29: {  	[sflag:s12] =	ssyncadd.s32 $0xFFFFEFF0  }
0x2a: {  	s20 =	simm.s32 $0x10;
	s21 =	simm.s32 $0x16050;
	s22 =	simm.s32 $0x15050;
	[tilespmem:s17+$0x0] =	vst v6  }
.LBB2_2:
0x2b: {  	v6 =	vmov s20;
	[tilespmem:s21+$0x0] =	vst v1;
	p0 =	sne.s32 s20, $0xFF0  }
.Ltmp2:
0x2c: {  	s20 =	sadd.s32 $0x10, s20;
	v6 =	vshra.s32 v6, $0x5;
	(pc) =	sbr.rel @p0 .LBB2_2-.Ltmp2, $4  }
0x2d: {  	v6 =	vadd.s32 v0, v6  }
0x2e: {  	v6 =	vbroadcast v6, $0x0  }
0x2f: {  	s22 =	sadd.s32 $0x10, s22  }
0x30: {  	s21 =	sadd.s32 $0x10, s21;
	[tilespmem:s22+$0x0] =	vst v6  }
.Ltmp3:
0x31: {  	(pc) =	sbr.rel .LBB2_4-.Ltmp3, $2  }
0x32: {  	_ =	sdelay $0x2  }
0x33: {  	[tilespmem:s21+$0x0] =	vst v1;
	s20 =	simm.s32 $0x0  }
.LBB2_26:
0x34: {  	s20 =	sadd.s32 $0x1, s20  }
0x35: {  	p0 =	sne.s32 s20, $0x8  }
.Ltmp4:
0x36: {  	_ = 	snop;
	(pc) =	sbr.rel @!p0 .LBB2_27-.Ltmp4, $1  }
0x37: {  	_ =	sdelay $0x3  }
.LBB2_4:
0x38: {  	s23 =	sshll.u32 s20, $0x4  }
0x39: {  	s25 =	sor.u32 s8, s23  }
0x3a: {  	v6 =	vld [tilespmem:s25+$0x3030]  }
0x3b: {  	v7 =	vld [tilespmem:s25+$0x4040];
	_ =	sdelay $0x3  }
0x3c: {  	(v2sf) =	vpush v6, $0x0  }
0x3d: {  	(v2sf) =	vpush v7, $0xF;
	_ =	sdelay $0xd  }
0x3e: {  	s21 =	spop (v2sf)  }
0x3f: {  	s22 =	spop (v2sf)  }
0x40: {  	s24 =	ssub.s32 s22, s21  }
0x41: {  	p0 =	slt.s32 s24, $0x1  }
.Ltmp5:
0x42: {  	_ = 	snop;
	(pc) =	sbr.rel @p0 .LBB2_11-.Ltmp5, $4  }
0x43: {  	_ = 	snop  }
0x44: {  	v8 =	vld [tilespmem:s25+$0x0]  }
0x45: {  	v9 =	vld [tilespmem:s25+$0x1010]  }
0x46: {  	v10 =	vld [tilespmem:s25+$0x2020]  }
0x47: {  	v13 =	vmov s21;
	_ =	sdelay $0x4  }
0x48: {  	v11 =	vld.idx.msk [tilespmem:v13+s3+$0x0], $0xffff  }
0x49: {  	v12 =	vld.idx.msk [tilespmem:v13+s13+$0x0], $0xffff;
	_ =	sdelay $0x1  }
0x4a: {  	v14 =	vld.idx.msk [tilespmem:v13+s14+$0x0], $0xffff;
	_ =	sdelay $0x2  }
0x4b: {  	s26 =	sadd.s32 $0x1, s21;
	v11 =	vsub.f32 v8, v11;
	v12 =	vsub.f32 v9, v12  }
0x4c: {  	p1 =	sne.s32 s22, s26  }
.Ltmp6:
0x4d: {  	v14 =	vsub.f32 v10, v14;
	v11 =	vmul.f32 v11, v11;
	v12 =	vmul.f32 v12, v12;
	(pc) =	sbr.rel @!p1 .LBB2_6-.Ltmp6, $4  }
0x4e: {  	_ = 	snop  }
0x4f: {  	v14 =	vmul.f32 v14, v14;
	v12 =	vadd.f32 v12, v11  }
0x50: {  	vm0 =	vge.s32 v13, v6  }
0x51: {  	p0 =	por $0x0, $0x0;
	vm1 =	vlt.s32 v13, v7;
	v11 =	vor.u32 s25, v2;
	s25 =	simm.s32 $0x5050;
	v12 =	vadd.f32 v14, v12  }
0x52: {  	v13 =	vmov s26;
	vm0 =	vmand vm0, vm1;
	vm1 =	vne.s32 v11, s21  }
0x53: {  	vm0 =	vmand vm1, vm0;
	vm1 =	vle.f32 v12, $1.000000000e+02  }
0x54: {  	vm0 =	vmand vm0, vm1  }
0x55: {  	v12 =	vnsel vm0, $0x7F61B1E6, v12  }
0x56: {  	[tilespmem:s25+$0x0] =	vst v12  }
0x57: {  	v12 =	vld.idx.msk [tilespmem:v13+s3+$0x0], $0xffff  }
0x58: {  	v14 =	vld.idx.msk [tilespmem:v13+s13+$0x0], $0xffff;
	_ =	sdelay $0x1  }
0x59: {  	v15 =	vld.idx.msk [tilespmem:v13+s14+$0x0], $0xffff;
	_ =	sdelay $0x2  }
0x5a: {  	s29 =	sadd.s32 $0x1, s26;
	v12 =	vsub.f32 v8, v12;
	v14 =	vsub.f32 v9, v14  }
0x5b: {  	p1 =	sne.s32 s22, s29  }
.Ltmp7:
0x5c: {  	v15 =	vsub.f32 v10, v15;
	v12 =	vmul.f32 v12, v12;
	v14 =	vmul.f32 v14, v14;
	(pc) =	sbr.rel @!p1 .LBB2_8-.Ltmp7, $3  }
0x5d: {  	_ = 	snop  }
0x5e: {  	v12 =	vadd.f32 v14, v12;
	v14 =	vmul.f32 v15, v15;
	_ =	sdelay $0x1  }
0x5f: {  	p0 =	por $0x1, $0x1;
	s28 =	simm.s32 $0x5050;
	vm1 =	vlt.s32 v13, v7;
	vm0 =	vge.s32 v13, v6;
	v12 =	vadd.f32 v14, v12  }
.LBB2_9:
0x60: {  	v13 =	vmov s29;
	vm0 =	vmand vm0, vm1;
	vm1 =	vne.s32 v11, s26;
	s26 =	smov.u32 s29  }
0x61: {  	s29 =	sadd.s32 $0x1, s29;
	vm0 =	vmand vm1, vm0;
	vm1 =	vle.f32 v12, $1.000000000e+02  }
0x62: {  	p1 =	sne.s32 s22, s29;
	vm0 =	vmand vm0, vm1  }
0x63: {  	s28 =	sadd.s32 $0x10, s28;
	v12 =	vnsel vm0, $0x7F61B1E6, v12  }
0x64: {  	[tilespmem:s28+$0x0] =	vst v12  }
0x65: {  	v12 =	vld.idx.msk [tilespmem:v13+s3+$0x0], $0xffff  }
0x66: {  	v14 =	vld.idx.msk [tilespmem:v13+s13+$0x0], $0xffff;
	_ =	sdelay $0x1  }
0x67: {  	v15 =	vld.idx.msk [tilespmem:v13+s14+$0x0], $0xffff;
	_ =	sdelay $0x3  }
0x68: {  	v12 =	vsub.f32 v8, v12;
	v14 =	vsub.f32 v9, v14;
	_ =	sdelay $0x1  }
.Ltmp8:
0x69: {  	v12 =	vmul.f32 v12, v12;
	v15 =	vsub.f32 v10, v15;
	v14 =	vmul.f32 v14, v14;
	(pc) =	sbr.rel @p1 .LBB2_9-.Ltmp8, $3  }
0x6a: {  	_ = 	snop  }
0x6b: {  	v12 =	vadd.f32 v14, v12;
	v14 =	vmul.f32 v15, v15;
	_ =	sdelay $0x1  }
0x6c: {  	vm1 =	vlt.s32 v13, v7;
	vm0 =	vge.s32 v13, v6;
	v12 =	vadd.f32 v14, v12  }
.LBB2_10:
0x6d: {  	vm0 =	vmand vm0, vm1;
	vm14 =	vne.s32 v11, s26  }
0x6e: {  	vm0 =	vmand vm14, vm0;
	vm15 =	vle.f32 v12, $1.000000000e+02  }
0x6f: {  	s26 =	sadd.s32 @p0 $0x10, s28;
	vm0 =	vmand vm0, vm15  }
0x70: {  	s25 =	smov.u32 @p0 s26;
	v6 =	vnsel vm0, $0x7F61B1E6, v12  }
0x71: {  	[tilespmem:s25+$0x0] =	vst v6  }
.LBB2_11:
0x72: {  	s25 =	sadd.s32 $0x3, s24  }
0x73: {  	s26 =	sand.u32 $0xFFFFFFFC, s25  }
0x74: {  	p0 =	sge.s32 s24, s26  }
.Ltmp9:
0x75: {  	_ = 	snop;
	(pc) =	sbr.rel @p0 .LBB2_14-.Ltmp9, $1  }
0x76: {  	_ =	sdelay $0x3  }
0x77: {  	s26 =	sadd.s32 s26, s21  }
0x78: {  	s26 =	ssub.s32 s26, s22  }
0x79: {  	p0 =	sne.s32 s26, $0x1  }
.Ltmp10:
0x7a: {  	s24 =	sshll.u32 s22, $0x6;
	s28 =	sshll.u32 s21, $0x6;
	(pc) =	sbr.rel @!p0 .LBB2_14-.Ltmp10, $4  }
0x7b: {  	s24 =	ssub.s32 s24, s28  }
0x7c: {  	s31 =	sshra.s32 s24, $0x2  }
0x7d: {  	s22 =	sadd.s32 $0x5050, s31  }
0x7e: {  	s24 =	sadd.s32 $0xFFFFFFFF, s26;
	[tilespmem:s22+$0x0] =	vst v3  }
.LBB2_13:
0x7f: {  	p0 =	sne.s32 s24, $0x1  }
.Ltmp11:
0x80: {  	_ = 	snop;
	(pc) =	sbr.rel @p0 .LBB2_13-.Ltmp11, $3  }
0x81: {  	_ =	sdelay $0x1  }
0x82: {  	s24 =	sadd.s32 $0xFFFFFFFF, s24;
	s22 =	sadd.s32 $0x10, s22  }
0x83: {  	[tilespmem:s22+$0x0] =	vst v3  }
.LBB2_14:
0x84: {  	s22 =	sshra.s32 s25, $0x2  }
0x85: {  	p0 =	slt.s32 s22, $0x1  }
.Ltmp12:
0x86: {  	_ = 	snop;
	(pc) =	sbr.rel @p0 .LBB2_26-.Ltmp12, $1  }
0x87: {  	_ =	sdelay $0x3  }
.Ltmp13:
0x88: {  	(pc) =	sbr.rel .LBB2_16-.Ltmp13, $4  }
0x89: {  	_ = 	snop  }
0x8a: {  	v6 =	vmov s23  }
0x8b: {  	v6 =	vshll.u32 v6, $0x5  }
0x8c: {  	s23 =	sadd.s32 $0xFFFFFFFF, s22;
	s25 =	simm.s32 $0x0;
	s24 =	simm.s32 $0x50C0;
	v6 =	vor.u32 v4, v6  }
.LBB2_24:
0x8d: {  	v17 =	vsel vm11, $0x1, v5;
	v18 =	vsel vm9, $0x1, v5;
	v19 =	vsel vm12, $0x1, v5  }
0x8e: {  	v20 =	vsel vm13, $0x1, v5;
	v21 =	vsel vm6, $0x1, v5;
	v22 =	vsel vm10, $0x1, v5  }
0x8f: {  	v60 =	vsel vm2, $0x1, v5;
	v23 =	vsel vm7, $0x1, v5;
	v61 =	vsel vm3, $0x1, v5  }
0x90: {  	v24 =	vsel vm4, $0x1, v5;
	v62 =	vsel vm8, $0x1, v5;
	v25 =	vsel vm0, $0x1, v5  }
0x91: {  	v63 =	vsel vm1, $0x1, v5;
	v26 =	vsel vm5, $0x1, v5;
	v11 =	vadd.s32 v20, v11  }
0x92: {  	v14 =	vadd.s32 v62, v14;
	v12 =	vadd.s32 v63, v12;
	v13 =	vadd.s32 v26, v13  }
0x93: {  	v11 =	vadd.s32 v60, v11;
	v14 =	vadd.s32 v61, v14;
	v12 =	vadd.s32 v24, v12  }
0x94: {  	v13 =	vadd.s32 v25, v13;
	v11 =	vadd.s32 v17, v11;
	v14 =	vadd.s32 v21, v14  }
0x95: {  	v12 =	vadd.s32 v22, v12;
	v13 =	vadd.s32 v23, v13;
	v11 =	vadd.s32 v16, v11  }
0x96: {  	v14 =	vadd.s32 v15, v14;
	v12 =	vadd.s32 v18, v12;
	v13 =	vadd.s32 v19, v13  }
.LBB2_25:
0x97: {  	vm0 =	vlt.f32 v9, v10  }
0x98: {  	vm13 =	vlt.f32 v8, v10;
	v16 =	vshra.s32 v10, $0x1;
	v17 =	vmul.f32 $5.000000000e-01, v10  }
0x99: {  	vm14 =	vlt.f32 v7, v10;
	vm15 =	vle.f32 v10, v9;
	vm4 =	vlt.f32 v8, v9  }
0x9a: {  	v21 =	vshra.s32 v9, $0x1;
	v22 =	vmul.f32 $5.000000000e-01, v9;
	vm5 =	vlt.f32 v7, v9  }
0x9b: {  	vm6 =	vle.f32 v10, v8;
	vm7 =	vle.f32 v9, v8;
	v40 =	vshra.s32 v8, $0x1  }
0x9c: {  	v41 =	vmul.f32 $5.000000000e-01, v8;
	v43 =	vshra.s32 v7, $0x1;
	v16 =	vsub.s32 $0x5F3759DF, v16  }
0x9d: {  	v25 =	vmul.f32 $5.000000000e-01, v7;
	vm8 =	vle.f32 v10, v7;
	v33 =	vmul.f32 v16, v17  }
0x9e: {  	vm1 =	vle.f32 v9, v7;
	v15 =	vsel vm0, $0x1, v5;
	v18 =	vsel vm13, $0x1, v5  }
0x9f: {  	vm9 =	vlt.f32 v7, v8;
	v15 =	vadd.s32 v15, v18;
	v18 =	vmul.f32 v16, v33  }
0xa0: {  	vm10 =	vle.f32 v8, v7;
	vm11 =	vle.f32 v10, $1.000000000e+02;
	v19 =	vsel vm14, $0x1, v5  }
0xa1: {  	v34 =	vsel vm15, $0x1, v5;
	v21 =	vsub.s32 $0x5F3759DF, v21;
	v18 =	vsub.f32 $1.500000000e+00, v18  }
0xa2: {  	v20 =	vsel vm4, $0x1, v5;
	v23 =	vsel vm5, $0x1, v5;
	v35 =	vmul.f32 v21, v22  }
0xa3: {  	v38 =	vsel vm6, $0x1, v5;
	v24 =	vsel vm7, $0x1, v5;
	v16 =	vmul.f32 v16, v18  }
0xa4: {  	v27 =	vsel vm8, $0x1, v5;
	v28 =	vsel vm1, $0x1, v5;
	v37 =	vmul.f32 v21, v35  }
0xa5: {  	v15 =	vadd.s32 v19, v15;
	v19 =	vadd.s32 v34, v20;
	v39 =	vmul.f32 v16, v17  }
0xa6: {  	v20 =	vsub.s32 $0x5F3759DF, v40;
	v11 =	vadd.s32 v11, v15;
	v15 =	vsub.f32 $1.500000000e+00, v37  }
0xa7: {  	v36 =	vadd.s32 v23, v19;
	v42 =	vmul.f32 v20, v41;
	v19 =	vmul.f32 v39, v16  }
0xa8: {  	v18 =	vadd.s32 v38, v24;
	v15 =	vmul.f32 v21, v15;
	v24 =	vsub.s32 $0x5F3759DF, v43  }
0xa9: {  	v21 =	vmul.f32 v20, v42;
	v44 =	vmul.f32 v24, v25;
	v19 =	vsub.f32 $1.500000000e+00, v19  }
0xaa: {  	v45 =	vsel vm9, $0x1, v5;
	v47 =	vsel vm10, $0x1, v5;
	v26 =	vmul.f32 v15, v22  }
0xab: {  	v21 =	vsub.f32 $1.500000000e+00, v21;
	v16 =	vmul.f32 v19, v16;
	v19 =	vmul.f32 v24, v44  }
0xac: {  	s25 =	sshll.u32 s25, $0x2;
	vm13 =	vle.f32 v9, $1.000000000e+02;
	vm14 =	vle.f32 v8, $1.000000000e+02;
	v26 =	vmul.f32 v26, v15  }
0xad: {  	s25 =	sadd.s32 s21, s25;
	vm15 =	vle.f32 v7, $1.000000000e+02;
	v20 =	vmul.f32 v20, v21;
	v19 =	vsub.f32 $1.500000000e+00, v19  }
0xae: {  	v27 =	vadd.s32 v27, v28;
	v55 =	vmov s25;
	v26 =	vsub.f32 $1.500000000e+00, v26  }
0xaf: {  	v48 =	vadd.s32 v47, v27;
	v46 =	vmul.f32 v20, v41;
	v19 =	vmul.f32 v24, v19  }
0xb0: {  	v13 =	vadd.s32 v13, v48;
	v15 =	vmul.f32 v26, v15;
	v17 =	vmul.f32 v16, v17  }
0xb1: {  	v14 =	vadd.s32 v14, v36;
	v26 =	vmul.f32 v46, v20;
	v49 =	vmul.f32 v19, v25  }
0xb2: {  	vm12 =	vlt.s32 v11, $0x20;
	v11 =	vadd.s32 v6, v11;
	v17 =	vmul.f32 v17, v16  }
0xb3: {  	vm0 =	vmand vm11, vm12;
	v26 =	vsub.f32 $1.500000000e+00, v26;
	v50 =	vmul.f32 v49, v19  }
0xb4: {  	v18 =	vadd.s32 v45, v18;
	v22 =	vmul.f32 v15, v22;
	v17 =	vsub.f32 $1.500000000e+00, v17  }
0xb5: {  	v12 =	vadd.s32 v12, v18;
	v51 =	vmul.f32 v26, v20;
	v18 =	vsub.f32 $1.500000000e+00, v50  }
0xb6: {  	vm2 =	vlt.s32 v14, $0x20;
	v22 =	vmul.f32 v22, v15;
	v16 =	vmul.f32 v17, v16  }
0xb7: {  	v14 =	vadd.s32 v6, v14;
	v54 =	vmul.f32 v51, v41;
	v18 =	vmul.f32 v18, v19  }
0xb8: {  	vm1 =	vmand vm13, vm2;
	vm3 =	vlt.s32 v12, $0x20;
	v53 =	vmul.f32 v16, v10  }
0xb9: {  	v52 =	vsub.f32 $1.500000000e+00, v22;
	v16 =	vmul.f32 v54, v51;
	v56 =	vmul.f32 v18, v25  }
0xba: {  	vm4 =	vlt.s32 v13, $0x20;
	v12 =	vadd.s32 v6, v12;
	vm2 =	vmand vm14, vm3  }
0xbb: {  	s28 =	sadd.s32 $0x1, s25;
	v15 =	vmul.f32 v52, v15;
	v16 =	vsub.f32 $1.500000000e+00, v16;
	v20 =	vmul.f32 v56, v18  }
0xbc: {  	v59 =	vmov s28;
	v60 =	vadd.s32 v6, v13;
	vm3 =	vmand vm15, vm4;
	[tilespmem:v11+s17+$0x0] =	vst.idx.msk vm0, v55  }
0xbd: {  	v57 =	vmul.f32 v15, v9;
	[tilespmem:v11+s18+$0x0] =	vst.idx.msk vm0, v53;
	v58 =	vmul.f32 v16, v51;
	v61 =	vsub.f32 $1.500000000e+00, v20  }
0xbe: {  	p0 =	sne.s32 s26, s22;
	s31 =	sadd.s32 $0x2, s25;
	[tilespmem:v14+s17+$0x0] =	vst.idx.msk vm1, v59  }
.Ltmp14:
0xbf: {  	v62 =	vmov s31;
	[tilespmem:v14+s18+$0x0] =	vst.idx.msk vm1, v57;
	v8 =	vmul.f32 v58, v8;
	v63 =	vmul.f32 v61, v18;
	(pc) =	sbr.rel @!p0 .LBB2_26-.Ltmp14, $4  }
0xc0: {  	s25 =	sadd.s32 $0x3, s25;
	[tilespmem:v12+s17+$0x0] =	vst.idx.msk vm2, v62  }
0xc1: {  	[tilespmem:v12+s18+$0x0] =	vst.idx.msk vm2, v8;
	v8 =	vmov s25;
	v7 =	vmul.f32 v63, v7  }
0xc2: {  	[tilespmem:v60+s17+$0x0] =	vst.idx.msk vm3, v8  }
0xc3: {  	s23 =	sadd.s32 $0xFFFFFFFF, s23;
	s24 =	sadd.s32 $0x40, s24;
	s25 =	smov.u32 s26;
	[tilespmem:v60+s18+$0x0] =	vst.idx.msk vm3, v7  }
.LBB2_16:
0xc4: {  	s26 =	sshll.u32 s25, $0x8;
	p0 =	seq.s32 s25, $0x0  }
.Ltmp15:
0xc5: {  	s26 =	sshra.s32 s26, $0x2;
	(pc) =	sbr.rel @p0 .LBB2_17-.Ltmp15, $4  }
0xc6: {  	v10 =	vld [tilespmem:s26+$0x5050]  }
0xc7: {  	v9 =	vld [tilespmem:s26+$0x5060]  }
0xc8: {  	v8 =	vld [tilespmem:s26+$0x5070]  }
0xc9: {  	v11 =	vimm.s32 $0x0;
	v7 =	vld [tilespmem:s26+$0x5080];
	s26 =	simm.s32 $0x5070  }
0xca: {  	v12 =	vld [tilespmem:s26+$0x10]  }
0xcb: {  	v13 =	vld [tilespmem:s26+$0x0]  }
0xcc: {  	v14 =	vld [tilespmem:s26+$0xFFFFFFF0];
	_ =	sdelay $0x1  }
0xcd: {  	v15 =	vld [tilespmem:s26+$0xFFFFFFE0]  }
0xce: {  	vm5 =	vle.f32 v12, v10;
	vm14 =	vle.f32 v12, v9;
	vm9 =	vle.f32 v12, v8  }
0xcf: {  	p0 =	sne.s32 s25, $0x1;
	vm11 =	vle.f32 v13, v10;
	vm6 =	vle.f32 v13, v9;
	vm12 =	vle.f32 v12, v7  }
.Ltmp16:
0xd0: {  	vm2 =	vle.f32 v14, v10;
	vm10 =	vle.f32 v13, v8;
	vm7 =	vle.f32 v13, v7;
	(pc) =	sbr.rel @!p0 .LBB2_20-.Ltmp16, $4  }
0xd1: {  	vm3 =	vle.f32 v14, v9;
	vm4 =	vle.f32 v14, v8;
	vm0 =	vle.f32 v14, v7  }
0xd2: {  	vm13 =	vle.f32 v15, v10;
	vm8 =	vle.f32 v15, v9;
	vm1 =	vle.f32 v15, v8  }
0xd3: {  	v13 =	vimm.s32 $0x0;
	v14 =	vimm.s32 $0x0;
	v16 =	vsel vm5, $0x1, v5  }
0xd4: {  	s28 =	sadd.s32 $0xFFFFFFFF, s25;
	v12 =	vsel vm14, $0x1, v5;
	vm5 =	vle.f32 v15, v7;
	v15 =	vimm.s32 $0x0  }
.LBB2_19:
0xd5: {  	p0 =	sne.s32 s28, $0x1;
	v17 =	vsel vm11, $0x1, v5;
	v18 =	vsel vm9, $0x1, v5;
	v19 =	vsel vm12, $0x1, v5  }
0xd6: {  	v20 =	vsel vm13, $0x1, v5;
	v21 =	vsel vm6, $0x1, v5;
	v22 =	vsel vm10, $0x1, v5  }
0xd7: {  	v23 =	vsel vm7, $0x1, v5;
	v11 =	vadd.s32 v20, v11;
	v20 =	vsel vm2, $0x1, v5  }
0xd8: {  	v24 =	vsel vm4, $0x1, v5;
	v11 =	vadd.s32 v20, v11;
	v20 =	vsel vm3, $0x1, v5  }
0xd9: {  	v25 =	vsel vm0, $0x1, v5;
	s26 =	sadd.s32 $0x40, s26;
	v11 =	vadd.s32 v17, v11;
	v17 =	vsel vm8, $0x1, v5  }
0xda: {  	v27 =	vsel vm5, $0x1, v5;
	v11 =	vadd.s32 v16, v11;
	v16 =	vsel vm1, $0x1, v5;
	v26 =	vld [tilespmem:s26+$0x10]  }
0xdb: {  	v15 =	vadd.s32 v27, v15;
	v13 =	vadd.s32 v17, v13;
	v14 =	vadd.s32 v16, v14;
	v28 =	vld [tilespmem:s26+$0x0]  }
0xdc: {  	v15 =	vadd.s32 v25, v15;
	v13 =	vadd.s32 v20, v13;
	v14 =	vadd.s32 v24, v14;
	v16 =	vld [tilespmem:s26+$0xFFFFFFF0]  }
0xdd: {  	v15 =	vadd.s32 v23, v15;
	v13 =	vadd.s32 v21, v13;
	v14 =	vadd.s32 v22, v14  }
0xde: {  	v15 =	vadd.s32 v19, v15;
	v13 =	vadd.s32 v12, v13;
	v14 =	vadd.s32 v18, v14;
	v17 =	vld [tilespmem:s26+$0xFFFFFFE0]  }
0xdf: {  	vm5 =	vle.f32 v26, v10;
	vm14 =	vle.f32 v26, v9;
	vm9 =	vle.f32 v26, v8  }
.Ltmp17:
0xe0: {  	vm12 =	vle.f32 v26, v7;
	vm11 =	vle.f32 v28, v10;
	vm6 =	vle.f32 v28, v9;
	(pc) =	sbr.rel @p0 .LBB2_19-.Ltmp17, $4  }
0xe1: {  	vm10 =	vle.f32 v28, v8;
	vm7 =	vle.f32 v28, v7;
	vm2 =	vle.f32 v16, v10  }
0xe2: {  	vm3 =	vle.f32 v16, v9;
	vm4 =	vle.f32 v16, v8;
	vm0 =	vle.f32 v16, v7  }
0xe3: {  	vm13 =	vle.f32 v17, v10;
	vm8 =	vle.f32 v17, v9;
	vm1 =	vle.f32 v17, v8  }
0xe4: {  	s28 =	sadd.s32 $0xFFFFFFFF, s28;
	v12 =	vsel vm14, $0x1, v5;
	v16 =	vsel vm5, $0x1, v5;
	vm5 =	vle.f32 v17, v7  }
.LBB2_20:
0xe5: {  	v17 =	vsel vm11, $0x1, v5;
	v18 =	vsel vm9, $0x1, v5;
	v19 =	vsel vm12, $0x1, v5  }
0xe6: {  	v20 =	vsel vm13, $0x1, v5;
	v21 =	vsel vm6, $0x1, v5;
	v22 =	vsel vm10, $0x1, v5  }
0xe7: {  	v59 =	vsel vm2, $0x1, v5;
	v23 =	vsel vm7, $0x1, v5;
	v60 =	vsel vm3, $0x1, v5  }
0xe8: {  	v24 =	vsel vm4, $0x1, v5;
	v61 =	vsel vm8, $0x1, v5;
	v25 =	vsel vm0, $0x1, v5  }
0xe9: {  	v62 =	vsel vm1, $0x1, v5;
	v26 =	vsel vm5, $0x1, v5;
	v11 =	vadd.s32 v20, v11  }
.Ltmp18:
0xea: {  	v13 =	vadd.s32 v61, v13;
	v14 =	vadd.s32 v62, v14;
	v15 =	vadd.s32 v26, v15;
	(pc) =	sbr.rel .LBB2_21-.Ltmp18, $4  }
0xeb: {  	v11 =	vadd.s32 v59, v11;
	v13 =	vadd.s32 v60, v13;
	v14 =	vadd.s32 v24, v14  }
0xec: {  	v15 =	vadd.s32 v25, v15;
	v11 =	vadd.s32 v17, v11;
	v13 =	vadd.s32 v21, v13  }
0xed: {  	v63 =	vadd.s32 v22, v14;
	v15 =	vadd.s32 v23, v15;
	v11 =	vadd.s32 v16, v11  }
0xee: {  	v14 =	vadd.s32 v12, v13;
	v12 =	vadd.s32 v18, v63;
	v13 =	vadd.s32 v19, v15  }
.LBB2_17:
0xef: {  	v14 =	vimm.s32 $0x0;
	v12 =	vimm.s32 $0x0;
	v13 =	vimm.s32 $0x0  }
.LBB2_21:
0xf0: {  	s26 =	sadd.s32 $0x1, s25  }
0xf1: {  	p0 =	sge.s32 s26, s22  }
.Ltmp19:
0xf2: {  	_ = 	snop;
	(pc) =	sbr.rel @p0 .LBB2_25-.Ltmp19, $1  }
0xf3: {  	_ =	sdelay $0x3  }
0xf4: {  	v15 =	vld [tilespmem:s24+$0x0]  }
0xf5: {  	v16 =	vld [tilespmem:s24+$0xFFFFFFF0]  }
0xf6: {  	v17 =	vld [tilespmem:s24+$0xFFFFFFE0];
	_ =	sdelay $0x1  }
0xf7: {  	v18 =	vld [tilespmem:s24+$0xFFFFFFD0]  }
0xf8: {  	p0 =	sne.s32 s23, $0x1;
	vm5 =	vlt.f32 v15, v10;
	vm14 =	vlt.f32 v15, v9;
	vm9 =	vlt.f32 v15, v8  }
.Ltmp20:
0xf9: {  	vm11 =	vlt.f32 v16, v10;
	vm6 =	vlt.f32 v16, v9;
	vm12 =	vlt.f32 v15, v7;
	(pc) =	sbr.rel @!p0 .LBB2_24-.Ltmp20, $4  }
0xfa: {  	vm2 =	vlt.f32 v17, v10;
	vm10 =	vlt.f32 v16, v8;
	vm7 =	vlt.f32 v16, v7  }
0xfb: {  	vm3 =	vlt.f32 v17, v9;
	vm4 =	vlt.f32 v17, v8;
	vm0 =	vlt.f32 v17, v7  }
0xfc: {  	vm13 =	vlt.f32 v18, v10;
	vm8 =	vlt.f32 v18, v9;
	vm1 =	vlt.f32 v18, v8  }
0xfd: {  	s28 =	sadd.s32 $0xFFFFFFFF, s23;
	s29 =	smov.u32 s24;
	v16 =	vsel vm5, $0x1, v5;
	v15 =	vsel vm14, $0x1, v5;
	vm5 =	vlt.f32 v18, v7  }
.LBB2_23:
0xfe: {  	p0 =	sne.s32 s28, $0x1;
	v17 =	vsel vm11, $0x1, v5;
	v18 =	vsel vm9, $0x1, v5;
	v19 =	vsel vm12, $0x1, v5  }
0xff: {  	v20 =	vsel vm13, $0x1, v5;
	v21 =	vsel vm6, $0x1, v5;
	v22 =	vsel vm10, $0x1, v5  }
0x100: {  	v23 =	vsel vm7, $0x1, v5;
	v11 =	vadd.s32 v20, v11;
	v20 =	vsel vm2, $0x1, v5  }
0x101: {  	v24 =	vsel vm4, $0x1, v5;
	v11 =	vadd.s32 v20, v11;
	v20 =	vsel vm3, $0x1, v5  }
0x102: {  	v25 =	vsel vm0, $0x1, v5;
	s29 =	sadd.s32 $0x40, s29;
	v11 =	vadd.s32 v17, v11;
	v17 =	vsel vm8, $0x1, v5  }
0x103: {  	v27 =	vsel vm5, $0x1, v5;
	v11 =	vadd.s32 v16, v11;
	v16 =	vsel vm1, $0x1, v5;
	v26 =	vld [tilespmem:s29+$0x0]  }
0x104: {  	v13 =	vadd.s32 v27, v13;
	v14 =	vadd.s32 v17, v14;
	v12 =	vadd.s32 v16, v12;
	v28 =	vld [tilespmem:s29+$0xFFFFFFF0]  }
0x105: {  	v13 =	vadd.s32 v25, v13;
	v14 =	vadd.s32 v20, v14;
	v12 =	vadd.s32 v24, v12;
	v16 =	vld [tilespmem:s29+$0xFFFFFFE0]  }
0x106: {  	v13 =	vadd.s32 v23, v13;
	v14 =	vadd.s32 v21, v14;
	v12 =	vadd.s32 v22, v12  }
0x107: {  	v13 =	vadd.s32 v19, v13;
	v14 =	vadd.s32 v15, v14;
	v12 =	vadd.s32 v18, v12;
	v17 =	vld [tilespmem:s29+$0xFFFFFFD0]  }
0x108: {  	vm5 =	vlt.f32 v26, v10;
	vm14 =	vlt.f32 v26, v9;
	vm9 =	vlt.f32 v26, v8  }
.Ltmp21:
0x109: {  	vm12 =	vlt.f32 v26, v7;
	vm11 =	vlt.f32 v28, v10;
	vm6 =	vlt.f32 v28, v9;
	(pc) =	sbr.rel @p0 .LBB2_23-.Ltmp21, $4  }
0x10a: {  	vm10 =	vlt.f32 v28, v8;
	vm7 =	vlt.f32 v28, v7;
	vm2 =	vlt.f32 v16, v10  }
0x10b: {  	vm3 =	vlt.f32 v16, v9;
	vm4 =	vlt.f32 v16, v8;
	vm0 =	vlt.f32 v16, v7  }
0x10c: {  	vm13 =	vlt.f32 v17, v10;
	vm8 =	vlt.f32 v17, v9;
	vm1 =	vlt.f32 v17, v8  }
0x10d: {  	s28 =	sadd.s32 $0xFFFFFFFF, s28;
	v15 =	vsel vm14, $0x1, v5;
	v16 =	vsel vm5, $0x1, v5;
	vm5 =	vlt.f32 v17, v7  }
.Ltmp22:
0x10e: {  	_ = 	snop;
	(pc) =	sbr.rel .LBB2_24-.Ltmp22, $1  }
0x10f: {  	_ =	sdelay $0x3  }
.LBB2_6:
.Ltmp23:
0x110: {  	(pc) =	sbr.rel .LBB2_10-.Ltmp23, $2  }
0x111: {  	_ =	sdelay $0x2  }
0x112: {  	s26 =	smov.u32 s21;
	s28 =	simm.s32 $0x5050  }
.LBB2_8:
.Ltmp24:
0x113: {  	(pc) =	sbr.rel .LBB2_10-.Ltmp24, $2  }
0x114: {  	_ =	sdelay $0x2  }
0x115: {  	s28 =	simm.s32 $0x5050  }
.LBB2_28:
0x116: {  	_ =	sfence.sel $0x180000  }
0x117: {  	[bflag:$0x0] =	sbarrier.arrive $0xFFFF  }
0x118: {  	p0 =	sne.s32 s4, $0x0;
	_ =	strace $0x90000047  }
0x119: {  	s0 =	sadd.s32 @!p0 $0x100000, s0;
	[bflag:$0x2] =	sbarrier.arrive $0xFFFF  }
0x11a: {  	[sflag:s0] =	ssyncadd.tile.s32 @!p0 $0x1;
	_ =	shalt  }
.Lfunc_end2:
_tile_overlayer_lowered:
.L_overlay_start_2:
0x11b: {  	(tag) =	ssettag $0x2  }
0x11c: {  	s0 =	rddreg [dreg:$0x0];
	s2 =	stileid.u32  }
0x11d: {  	s1 =	rddreg [dreg:$0x1];
	p0 =	sne.s32 s2, $0x0  }
0x11e: {  	s3 =	rddreg [dreg:$0x2];
	[bflag:$0x3] =	sbarrier.arrive $0xFFFF;
	s2 =	simm.s32 @!p0 $0x1C01  }
0x11f: {  	[timem:s3], [sflag:s2] =	dma.local @!p0 [hbm:s0], s1  }
0x120: {  	s0 =	simm.s32 @!p0 $0x1  }
0x121: {  	_ =	swait.ge @!p0 [sflag:s0], s1  }
0x122: {  	s1 =	ssub.s32 @!p0 $0x0, s1;
	[sflag:s0] =	ssyncset.done @!p0 $0x0  }
0x123: {  	[sflag:s0] =	ssyncadd.s32 @!p0 s1  }
0x124: {  	[bflag:$0x3] =	sbarrier.arrive $0xFFFF  }
0x125: {  	_ =	shalt  }

</sc_bundles>
